<compile_context>
chip_gen: v7x
topology: tpu7x:2x2x1
jax: 0.10.2.dev20260603
libtpu: 0.0.44.dev20260713+nightly
codegen_flags: <defaults>
</compile_context>

<pallas_src>
import functools

import jax
import jax.numpy as jnp
from jax import lax
from jax.experimental import pallas as pl
from jax.experimental.pallas import tpu as pltpu
from jax.experimental.pallas import tpu_sc as plsc

N = 10000
D = 128
M = 5000
RADIUS = 0.2
KMAX = 64
KH = 64

ROWS, LANES = 80, 128
NPAD = ROWS * LANES
MPAD = 5120
C = 512
NC, NS = 2, 16
NW = NC * NS
QPT = MPAD // NW
GB = MPAD * KMAX
RPT = GB // NW
GCH = 512
PAD_COORD = 100.0
BIG = 1 << 30


def _fps_body(px_ref, py_ref, pz_ref, bt_ref, posq_ref, bq_ref):
    px = px_ref[...]
    py = py_ref[...]
    pz = pz_ref[...]
    bt = bt_ref[...]
    rows = lax.broadcasted_iota(jnp.int32, (ROWS, LANES), 0)
    cols = lax.broadcasted_iota(jnp.int32, (ROWS, LANES), 1)
    flat = rows * LANES + cols
    ninf = jnp.float32(-jnp.inf)
    dists0 = jnp.where(flat < N, jnp.float32(jnp.inf), ninf)
    j0 = jnp.zeros((1, 1), jnp.int32)

    def extract(jprev):
        sel = flat == jprev
        ex = lambda a: jnp.max(jnp.where(sel, a, ninf), axis=(0, 1), keepdims=True)
        return ex(px), ex(py), ex(pz), ex(bt)

    def body(i, carry):
        jprev, dists = carry
        lx, ly, lz, lb = extract(jprev)
        posq_ref[pl.ds(i - 1, 1), :] = jnp.concatenate([lx, ly, lz], axis=1)
        bq_ref[pl.ds(i - 1, 1), :] = lb
        dx = px - lx
        dy = py - ly
        dz = pz - lz
        d = (dx * dx + dz * dz) + dy * dy
        dists = jnp.minimum(dists, d)
        m = jnp.max(dists, axis=(0, 1), keepdims=True)
        jnew = jnp.min(jnp.where(dists == m, flat, BIG), axis=(0, 1),
                       keepdims=True)
        return jnew, dists

    jlast, _ = lax.fori_loop(1, M, body, (j0, dists0))
    lx, ly, lz, lb = extract(jlast)
    posq_ref[pl.ds(M - 1, 1), :] = jnp.concatenate([lx, ly, lz], axis=1)
    bq_ref[pl.ds(M - 1, 1), :] = lb


def _prep_body(x_ref, pos_ref, posq_ref, w1x_ref, w1p_ref, b1_ref,
               u_ref, cq_ref):
    w1p = w1p_ref[...]

    def pdot(p):
        return (p[:, 0:1] * w1p[0:1, :] + p[:, 1:2] * w1p[1:2, :]
                + p[:, 2:3] * w1p[2:3, :])

    u_ref[...] = jnp.dot(x_ref[...], w1x_ref[...],
                         preferred_element_type=jnp.float32) + pdot(pos_ref[...])
    cq_ref[...] = b1_ref[...] - pdot(posq_ref[...])


BQ_D2 = 160


def _d2_body(q_ref, pxr_ref, pyr_ref, pzr_ref, d2_ref):
    q = q_ref[...]
    dx = q[:, 0:1] - pxr_ref[...]
    dy = q[:, 1:2] - pyr_ref[...]
    dz = q[:, 2:3] - pzr_ref[...]
    d2_ref[...] = (dx * dx + dz * dz) + dy * dy


def _compact_body(d2_hbm, ci_hbm, cd_hbm, cnt_hbm, drow, cib, cdb, cntb, sem):
    wid = lax.axis_index("s") * NC + lax.axis_index("c")
    start = wid * QPT
    r2 = jnp.float32(RADIUS * RADIUS)

    def per_q(qi, _):
        q = start + qi
        pltpu.sync_copy(d2_hbm.at[q], drow)

        def per_chunk(ch, off_v):
            v = drow[pl.ds(ch * 16, 16)]
            mask = v <= r2
            ones = jnp.where(mask, 1, 0).astype(jnp.int32)
            csum = plsc.cumsum(ones)
            dest = jnp.where(mask, off_v + csum - 1, C)
            idxv = lax.iota(jnp.int32, 16) + ch * 16
            plsc.store_scatter(cdb, [dest], v)
            plsc.store_scatter(cib, [dest], idxv)
            pc = plsc.all_reduce_population_count(mask)
            return jnp.minimum(off_v + pc, C - 16)

        off_v = lax.fori_loop(0, NPAD // 16, per_chunk,
                              jnp.zeros((16,), jnp.int32))
        cntb[pl.ds(qi * 16, 16)] = off_v
        pltpu.sync_copy(cib.at[pl.ds(0, C)], ci_hbm.at[q])
        pltpu.sync_copy(cdb.at[pl.ds(0, C)], cd_hbm.at[q])
        return 0

    lax.fori_loop(0, QPT, per_q, 0)
    pltpu.sync_copy(cntb, cnt_hbm.at[pl.ds(start * 16, QPT * 16)])


BQ_S = 640


def _select_body(cd_ref, ci_ref, cnt_ref, nbr_ref, c_ref):
    rowi = lax.broadcasted_iota(jnp.int32, (C, BQ_S), 0)
    cnt = cnt_ref[...]
    inf = jnp.float32(jnp.inf)
    c_ref[...] = jnp.where(rowi < cnt, cd_ref[...], inf)

    def body(k, _):
        c = c_ref[...]
        m = jnp.min(c, axis=0, keepdims=True)
        ism = c == m
        srow = jnp.min(jnp.where(ism, rowi, BIG), axis=0, keepdims=True)
        selm = rowi == srow
        jsel = jnp.max(jnp.where(selm, ci_ref[...], -1), axis=0, keepdims=True)
        nbr_ref[pl.ds(k, 1), :] = jsel
        c_ref[...] = jnp.where(selm, inf, c)
        return 0

    lax.fori_loop(0, KMAX, body, 0)
    kio = lax.broadcasted_iota(jnp.int32, (KMAX, BQ_S), 0)
    valid = kio < jnp.minimum(cnt, KMAX)
    nbr_ref[...] = jnp.clip(jnp.where(valid, nbr_ref[...], 0), 0, N - 1)


def _gather_body(u_hbm, nbr_hbm, g_hbm, idxb, rowb, sem):
    wid = lax.axis_index("s") * NC + lax.axis_index("c")

    def per_chunk(ch, _):
        base = wid * RPT + ch * GCH
        pltpu.sync_copy(nbr_hbm.at[pl.ds(base, GCH)], idxb)
        pltpu.async_copy(u_hbm.at[idxb], rowb, sem).wait()
        pltpu.sync_copy(rowb, g_hbm.at[pl.ds(base, GCH)])
        return 0

    lax.fori_loop(0, RPT // GCH, per_chunk, 0)


BQ_M = 160


def _mlp_body(g_ref, cq_ref, cnt_ref, w2_ref, b2_ref, w3_ref, b3_ref,
              out_ref):
    g = g_ref[...]
    cq = cq_ref[...]
    h1 = jnp.maximum(g + cq[None, :, :], 0.0)
    h1f = h1.reshape(KMAX * BQ_M, KH)
    h2 = jnp.maximum(
        jnp.dot(h1f, w2_ref[...], preferred_element_type=jnp.float32) +
        b2_ref[...], 0.0)
    h3 = jnp.dot(h2, w3_ref[...],
                 preferred_element_type=jnp.float32) + b3_ref[...]
    h3r = h3.reshape(KMAX, BQ_M, D)
    slot = lax.broadcasted_iota(jnp.int32, (KMAX, BQ_M, 1), 0)
    cnt = cnt_ref[...].reshape(1, BQ_M, 1)
    valid = slot < jnp.minimum(cnt, KMAX)
    out_ref[...] = jnp.max(jnp.where(valid, h3r, -jnp.inf), axis=0)


def _sc_mesh():
    return plsc.VectorSubcoreMesh(core_axis_name="c", subcore_axis_name="s",
                                  num_cores=NC, num_subcores=NS)


def _compact_call(d2, *, interpret=False):
    compact = functools.partial(
        pl.kernel,
        out_type=[jax.ShapeDtypeStruct((MPAD, C), jnp.int32),
                  jax.ShapeDtypeStruct((MPAD, C), jnp.float32),
                  jax.ShapeDtypeStruct((MPAD * 16,), jnp.int32)],
        mesh=_sc_mesh(),
        scratch_types=[pltpu.VMEM((NPAD,), jnp.float32),
                       pltpu.VMEM((C + 16,), jnp.int32),
                       pltpu.VMEM((C + 16,), jnp.float32),
                       pltpu.VMEM((QPT * 16,), jnp.int32),
                       pltpu.SemaphoreType.DMA],
        compiler_params=pltpu.CompilerParams(needs_layout_passes=False),
        interpret=interpret,
    )(_compact_body)
    return compact(d2)


def _gather_call(u, nbr_flat, *, interpret=False):
    gather = functools.partial(
        pl.kernel,
        out_type=jax.ShapeDtypeStruct((GB, KH), jnp.float32),
        mesh=_sc_mesh(),
        scratch_types=[pltpu.VMEM((GCH,), jnp.int32),
                       pltpu.VMEM((GCH, KH), jnp.float32),
                       pltpu.SemaphoreType.DMA],
        compiler_params=pltpu.CompilerParams(
            needs_layout_passes=False, use_tc_tiling_on_sc=False),
        interpret=interpret,
    )(_gather_body)
    return gather(u, nbr_flat)


def _pipeline(x, pos, batch, W1, b1, W2, b2, W3, b3, *, interpret=False):
    f32 = jnp.float32
    posp = jnp.concatenate(
        [pos, jnp.full((NPAD - N, 3), PAD_COORD, f32)], axis=0)
    pxg = posp[:, 0].reshape(ROWS, LANES)
    pyg = posp[:, 1].reshape(ROWS, LANES)
    pzg = posp[:, 2].reshape(ROWS, LANES)
    btf = jnp.pad(batch.astype(f32), (0, NPAD - N)).reshape(ROWS, LANES)

    posq, bqf = pl.pallas_call(
        _fps_body,
        out_shape=[jax.ShapeDtypeStruct((M, 3), f32),
                   jax.ShapeDtypeStruct((M, 1), f32)],
        interpret=interpret,
    )(pxg, pyg, pzg, btf)

    u, cq = pl.pallas_call(
        _prep_body,
        out_shape=[jax.ShapeDtypeStruct((N, KH), f32),
                   jax.ShapeDtypeStruct((M, KH), f32)],
        interpret=interpret,
    )(x, pos, posq, W1[:D], W1[D:], b1.reshape(1, KH))

    posq_pad = jnp.concatenate(
        [posq, jnp.full((MPAD - M, 3), PAD_COORD, f32)], axis=0)
    d2 = pl.pallas_call(
        _d2_body,
        grid=(MPAD // BQ_D2,),
        in_specs=[pl.BlockSpec((BQ_D2, 3), lambda i: (i, 0)),
                  pl.BlockSpec((1, NPAD), lambda i: (0, 0)),
                  pl.BlockSpec((1, NPAD), lambda i: (0, 0)),
                  pl.BlockSpec((1, NPAD), lambda i: (0, 0))],
        out_specs=pl.BlockSpec((BQ_D2, NPAD), lambda i: (i, 0)),
        out_shape=jax.ShapeDtypeStruct((MPAD, NPAD), f32),
        interpret=interpret,
    )(posq_pad, posp[:, 0].reshape(1, NPAD), posp[:, 1].reshape(1, NPAD),
      posp[:, 2].reshape(1, NPAD))

    ci, cd, cnt16 = _compact_call(d2, interpret=interpret)
    cnt = cnt16.reshape(MPAD, 16)[:, 0]

    nbr = pl.pallas_call(
        _select_body,
        grid=(MPAD // BQ_S,),
        in_specs=[pl.BlockSpec((C, BQ_S), lambda i: (0, i)),
                  pl.BlockSpec((C, BQ_S), lambda i: (0, i)),
                  pl.BlockSpec((1, BQ_S), lambda i: (0, i))],
        out_specs=pl.BlockSpec((KMAX, BQ_S), lambda i: (0, i)),
        out_shape=jax.ShapeDtypeStruct((KMAX, MPAD), jnp.int32),
        scratch_shapes=[pltpu.VMEM((C, BQ_S), f32)],
        interpret=interpret,
    )(cd.T, ci.T, cnt.reshape(1, MPAD))

    g = _gather_call(u, nbr.reshape(GB), interpret=interpret)

    out_pad = pl.pallas_call(
        _mlp_body,
        grid=(MPAD // BQ_M,),
        in_specs=[pl.BlockSpec((KMAX, BQ_M, KH), lambda i: (0, i, 0)),
                  pl.BlockSpec((BQ_M, KH), lambda i: (i, 0)),
                  pl.BlockSpec((BQ_M, 1), lambda i: (i, 0)),
                  pl.BlockSpec((KH, KH), lambda i: (0, 0)),
                  pl.BlockSpec((1, KH), lambda i: (0, 0)),
                  pl.BlockSpec((KH, D), lambda i: (0, 0)),
                  pl.BlockSpec((1, D), lambda i: (0, 0))],
        out_specs=pl.BlockSpec((BQ_M, D), lambda i: (i, 0)),
        out_shape=jax.ShapeDtypeStruct((MPAD, D), f32),
        interpret=interpret,
    )(g.reshape(KMAX, MPAD, KH),
      jnp.pad(cq, ((0, MPAD - M), (0, 0))),
      cnt.reshape(MPAD, 1),
      W2, b2.reshape(1, KH), W3, b3.reshape(1, D))

    return out_pad[:M], posq, bqf[:, 0].astype(batch.dtype)


def kernel(x, pos, batch, W1, b1, W2, b2, W3, b3):
    return _pipeline(x, pos, batch, W1, b1, W2, b2, W3, b3)

# --- scband reference (transcript-rebuilt; emitter-appended) ---
"""Pipeline reference for scband-samodule-63299228009289 (READ-ONLY COPY).

The authoritative reference and input builder live on the scoring server;
editing this copy changes nothing except your own understanding.
"""

import jax, jax.numpy as jnp
import numpy as np

N = 10000
D = 128
M = 5000  # ceil(ratio*N), ratio=0.5
R = 0.2
KMAX = 64


def _fps(pos, m):
    # farthest point sampling, deterministic start at index 0
    n = pos.shape[0]
    def body(i, st):
        idx, dists = st
        last = pos[idx[i - 1]]
        d = jnp.sum((pos - last) ** 2, axis=1)
        dists = jnp.minimum(dists, d)
        idx = idx.at[i].set(jnp.argmax(dists).astype(jnp.int32))
        return (idx, dists)
    idx0 = jnp.zeros((m,), jnp.int32)
    d0 = jnp.full((n,), jnp.inf, jnp.float32)
    idx, _ = jax.lax.fori_loop(1, m, body, (idx0, d0))
    return idx


def _radius_neighbors(pos, pos_q, r, kmax):
    # brute-force radius query: up to kmax neighbors within r (closest-first)
    d2 = jnp.sum((pos_q[:, None, :] - pos[None, :, :]) ** 2, axis=-1)
    neg = jnp.where(d2 <= r * r, -d2, -jnp.inf)
    vals, nbr = jax.lax.top_k(neg, kmax)
    valid = vals > -jnp.inf
    return nbr, valid


def _mlp(h, W1, b1, W2, b2, W3, b3):
    h = jax.nn.relu(h @ W1 + b1)
    h = jax.nn.relu(h @ W2 + b2)
    return h @ W3 + b3


def setup_inputs(seed: int = 0):
    key = jax.random.key(seed)
    ks = jax.random.split(key, 6)
    x = jax.random.normal(ks[0], (N, D), jnp.float32)
    pos = jax.random.uniform(ks[1], (N, 3), dtype=jnp.float32)
    batch = jnp.zeros((N,), jnp.int32)
    din = 3 + D  # data_dim + in_channels
    W1 = jax.random.normal(ks[2], (din, 64), jnp.float32) / jnp.sqrt(din)
    b1 = jnp.zeros((64,), jnp.float32)
    W2 = jax.random.normal(ks[3], (64, 64), jnp.float32) / jnp.sqrt(64.0)
    b2 = jnp.zeros((64,), jnp.float32)
    W3 = jax.random.normal(ks[4], (64, 128), jnp.float32) / jnp.sqrt(64.0)
    b3 = jnp.zeros((128,), jnp.float32)
    return {"x": x, "pos": pos, "batch": batch, "W1": W1, "b1": b1,
            "W2": W2, "b2": b2, "W3": W3, "b3": b3}


def reference(x, pos, batch, W1, b1, W2, b2, W3, b3):
    # fps -> radius graph -> PointConv (local_nn on [x_j, pos_j - pos_i], max aggr)
    idx = _fps(pos, M)
    pos_q = pos[idx]
    nbr, valid = _radius_neighbors(pos, pos_q, R, KMAX)
    x_j = x[nbr]                                   # gather: [M, KMAX, D]
    rel = pos[nbr] - pos_q[:, None, :]             # [M, KMAX, 3]
    feat = jnp.concatenate([x_j, rel], axis=-1)    # [M, KMAX, D+3]
    h = _mlp(feat, W1, b1, W2, b2, W3, b3)         # [M, KMAX, 128]
    h = jnp.where(valid[:, :, None], h, -jnp.inf)
    out = jnp.max(h, axis=1)                       # max aggregation per centroid
    batch_q = batch[idx]
    return (out, pos_q, batch_q)

if __name__ == "__main__":
    import jax
    _d = setup_inputs()
    print(jax.jit(kernel)(*tuple(_d.values())))

</pallas_src>

<mosaic_0001>
#map = affine_map<(d0, d1) -> (0, 0)>
#map1 = affine_map<(d0, d1) -> (0)>
module attributes {stable_mosaic.version = 14 : i64} {
  func.func @_compact_body(%arg0: i32, %arg1: i32, %arg2: memref<5120x10240xf32, #tpu.memory_space<hbm>>, %arg3: memref<5120x512xi32, #tpu.memory_space<hbm>>, %arg4: memref<5120x512xf32, #tpu.memory_space<hbm>>, %arg5: memref<81920xi32, #tpu.memory_space<hbm>>, %arg6: memref<10240xf32, #tpu.memory_space<vmem>>, %arg7: memref<528xi32, #tpu.memory_space<vmem>>, %arg8: memref<528xf32, #tpu.memory_space<vmem>>, %arg9: memref<2560xi32, #tpu.memory_space<vmem>>, %arg10: memref<!tpu.dma_semaphore, #tpu.memory_space<semaphore_mem>>) attributes {dimension_semantics = [#tpu.dimension_semantics<core_parallel>, #tpu.dimension_semantics<subcore_parallel>], iteration_bounds = array<i64: 2, 16>, scalar_prefetch = 0 : i64, scratch_operands = 5 : i64, tpu.core_type = #tpu.core_type<sc_vector_subcore>, window_params = [{transform_indices = #map}, {transform_indices = #map}, {transform_indices = #map}, {transform_indices = #map1}]} {
    %mul3A = arith.constant 2 : i32
    %mul3A_0 = arith.muli %arg1, %mul3A : i32
    %add3A = arith.addi %mul3A_0, %arg0 : i32
    %mul3A_1 = arith.constant 160 : i32
    %mul3A_2 = arith.muli %add3A, %mul3A_1 : i32
    %scan3A = arith.constant 4.000000e-02 : f32
    %scan3A_3 = arith.constant 0 : i32
    %scan3A_4 = arith.constant 0 : i32
    %scan3A_5 = arith.constant 160 : i32
    %scan3A_6 = arith.addi %scan3A_4, %scan3A_5 : i32
    %scan3A_7 = arith.constant 1 : i32
    %scan3A_8 = scf.for %scan3A_12 = %scan3A_4 to %scan3A_6 step %scan3A_7 iter_args(%scan3A_13 = %scan3A_3) -> (i32)  : i32 {
      %add3A_14 = arith.addi %mul3A_2, %scan3A_12 : i32
      "tpu.region"() ({
        %run_scoped3A = tpu.sem_alloc : memref<!tpu.dma_semaphore, #tpu.memory_space<semaphore_mem>>
        %dma_start3A = arith.constant 0 : i32
        %dma_start3A_26 = tpu.memref_slice %arg2[%add3A_14, %dma_start3A] : memref<5120x10240xf32, #tpu.memory_space<hbm>> -> memref<1x10240xf32, #tpu.memory_space<hbm>>
        %dma_start3A_27 = tpu.memref_squeeze %dma_start3A_26 : memref<1x10240xf32, #tpu.memory_space<hbm>> -> memref<10240xf32, #tpu.memory_space<hbm>>
        %dma_start3A_28 = arith.constant 0 : i32
        %dma_start3A_29 = tpu.memref_slice %arg2[%add3A_14, %dma_start3A_28] : memref<5120x10240xf32, #tpu.memory_space<hbm>> -> memref<1x10240xf32, #tpu.memory_space<hbm>>
        %dma_start3A_30 = tpu.memref_squeeze %dma_start3A_29 : memref<1x10240xf32, #tpu.memory_space<hbm>> -> memref<10240xf32, #tpu.memory_space<hbm>>
        tpu.enqueue_dma source(%dma_start3A_30 : memref<10240xf32, #tpu.memory_space<hbm>>) target(%arg6 : memref<10240xf32, #tpu.memory_space<vmem>>) target_semaphore(%run_scoped3A : memref<!tpu.dma_semaphore, #tpu.memory_space<semaphore_mem>>)
        %dma_wait3A = arith.constant 0 : i32
        %dma_wait3A_31 = tpu.memref_slice %arg2[%add3A_14, %dma_wait3A] : memref<5120x10240xf32, #tpu.memory_space<hbm>> -> memref<1x10240xf32, #tpu.memory_space<hbm>>
        %dma_wait3A_32 = tpu.memref_squeeze %dma_wait3A_31 : memref<1x10240xf32, #tpu.memory_space<hbm>> -> memref<10240xf32, #tpu.memory_space<hbm>>
        %dma_wait3A_33 = arith.constant 0 : i32
        %dma_wait3A_34 = tpu.memref_slice %arg2[%add3A_14, %dma_wait3A_33] : memref<5120x10240xf32, #tpu.memory_space<hbm>> -> memref<1x10240xf32, #tpu.memory_space<hbm>>
        %dma_wait3A_35 = tpu.memref_squeeze %dma_wait3A_34 : memref<1x10240xf32, #tpu.memory_space<hbm>> -> memref<10240xf32, #tpu.memory_space<hbm>>
        tpu.wait_dma2 semaphore(%run_scoped3A : memref<!tpu.dma_semaphore, #tpu.memory_space<semaphore_mem>>) src(%dma_wait3A_35 : memref<10240xf32, #tpu.memory_space<hbm>>) dst(%arg6 : memref<10240xf32, #tpu.memory_space<vmem>>)
        tpu.yield
      }) : () -> ()
      %broadcast_in_dim3A = arith.constant 0 : i32
      %broadcast_in_dim3A_15 = vector.broadcast %broadcast_in_dim3A : i32 to vector<16xi32>
      %scan3A_16 = arith.constant 0 : i32
      %scan3A_17 = arith.constant 640 : i32
      %scan3A_18 = arith.addi %scan3A_16, %scan3A_17 : i32
      %scan3A_19 = arith.constant 1 : i32
      %scan3A_20 = scf.for %scan3A_26 = %scan3A_16 to %scan3A_18 step %scan3A_19 iter_args(%scan3A_27 = %broadcast_in_dim3A_15) -> (vector<16xi32>)  : i32 {
        %mul3A_28 = arith.constant 16 : i32
        %mul3A_29 = arith.muli %scan3A_26, %mul3A_28 : i32
        %get3A = arith.index_cast %mul3A_29 : i32 to index
        %get3A_30 = tpu.vector_load %arg6[%get3A] {strides = array<i32>} : memref<10240xf32, #tpu.memory_space<vmem>>, vector<16xf32>,
        %le3A = vector.broadcast %scan3A : f32 to vector<16xf32>
        %le3A_31 = arith.cmpf ole, %get3A_30, %le3A : vector<16xf32>
        %jit3A = arith.constant 1 : i32
        %jit3A_32 = arith.constant 0 : i32
        %broadcast_in_dim3A_33 = vector.broadcast %jit3A : i32 to vector<16xi32>
        %broadcast_in_dim3A_34 = vector.broadcast %jit3A_32 : i32 to vector<16xi32>
        %select_n3A = arith.select %le3A_31, %broadcast_in_dim3A_33, %broadcast_in_dim3A_34 : vector<16xi1>, vector<16xi32>
        %broadcast_in_dim3A_35 = arith.constant true
        %broadcast_in_dim3A_36 = vector.broadcast %broadcast_in_dim3A_35 : i1 to vector<16xi1>
        %masked_cumsum3A = tpu.scan <sum>, %select_n3A masked %broadcast_in_dim3A_36 : vector<16xi32>, vector<16xi1> -> vector<16xi32>
        %add3A_37 = arith.addi %scan3A_27, %masked_cumsum3A : vector<16xi32>
        %sub3A = arith.constant 1 : i32
        %sub3A_38 = vector.broadcast %sub3A : i32 to vector<16xi32>
        %sub3A_39 = arith.subi %add3A_37, %sub3A_38 : vector<16xi32>
        %jit3A_40 = arith.constant 512 : i32
        %broadcast_in_dim3A_41 = vector.broadcast %jit3A_40 : i32 to vector<16xi32>
        %select_n3A_42 = arith.select %le3A_31, %sub3A_39, %broadcast_in_dim3A_41 : vector<16xi1>, vector<16xi32>
        %iota3A = tpu.iota {dimensions = array<i32: 0>} : vector<16xi32>
        %mul3A_43 = arith.constant 16 : i32
        %mul3A_44 = arith.muli %scan3A_26, %mul3A_43 : i32
        %add3A_45 = vector.broadcast %mul3A_44 : i32 to vector<16xi32>
        %add3A_46 = arith.addi %iota3A, %add3A_45 : vector<16xi32>
        tpu.vector_store_idx %arg8[%select_n3A_42], %get3A_30 : memref<528xf32, #tpu.memory_space<vmem>>[vector<16xi32>], vector<16xf32>,
        tpu.vector_store_idx %arg7[%select_n3A_42], %add3A_46 : memref<528xi32, #tpu.memory_space<vmem>>[vector<16xi32>], vector<16xi32>,
        %all_reduce_population_count3A = tpu.all_reduce %le3A_31 {dim = 0 : i64, kind = #tpu.reduction_kind<sum>} : vector<16xi1> -> vector<16xi32>
        %add3A_47 = arith.addi %scan3A_27, %all_reduce_population_count3A : vector<16xi32>
        %min3A = arith.constant 496 : i32
        %min3A_48 = vector.broadcast %min3A : i32 to vector<16xi32>
        %min3A_49 = arith.minsi %add3A_47, %min3A_48 : vector<16xi32>
        scf.yield %min3A_49 : vector<16xi32>
      }
      %scan3A_21 = arith.constant 640 : i32
      %mul3A_22 = arith.constant 16 : i32
      %mul3A_23 = arith.muli %scan3A_12, %mul3A_22 : i32
      %swap3A = arith.index_cast %mul3A_23 : i32 to index
      %swap3A_24 = tpu.vector_load %arg9[%swap3A] {strides = array<i32>} : memref<2560xi32, #tpu.memory_space<vmem>>, vector<16xi32>,
      tpu.vector_store %arg9[%swap3A], %scan3A_20 {strides = array<i32>} : memref<2560xi32, #tpu.memory_space<vmem>>, vector<16xi32>,
      "tpu.region"() ({
        %run_scoped3A = tpu.sem_alloc : memref<!tpu.dma_semaphore, #tpu.memory_space<semaphore_mem>>
        %dma_start3A = arith.constant 0 : i32
        %dma_start3A_26 = tpu.memref_slice %arg7[%dma_start3A] : memref<528xi32, #tpu.memory_space<vmem>> -> memref<512xi32, #tpu.memory_space<vmem>>
        %dma_start3A_27 = arith.constant 0 : i32
        %dma_start3A_28 = tpu.memref_slice %arg3[%add3A_14, %dma_start3A_27] : memref<5120x512xi32, #tpu.memory_space<hbm>> -> memref<1x512xi32, #tpu.memory_space<hbm>>
        %dma_start3A_29 = tpu.memref_squeeze %dma_start3A_28 : memref<1x512xi32, #tpu.memory_space<hbm>> -> memref<512xi32, #tpu.memory_space<hbm>>
        %dma_start3A_30 = arith.constant 0 : i32
        %dma_start3A_31 = tpu.memref_slice %arg3[%add3A_14, %dma_start3A_30] : memref<5120x512xi32, #tpu.memory_space<hbm>> -> memref<1x512xi32, #tpu.memory_space<hbm>>
        %dma_start3A_32 = tpu.memref_squeeze %dma_start3A_31 : memref<1x512xi32, #tpu.memory_space<hbm>> -> memref<512xi32, #tpu.memory_space<hbm>>
        %dma_start3A_33 = arith.constant 0 : i32
        %dma_start3A_34 = tpu.memref_slice %arg7[%dma_start3A_33] : memref<528xi32, #tpu.memory_space<vmem>> -> memref<512xi32, #tpu.memory_space<vmem>>
        tpu.enqueue_dma source(%dma_start3A_34 : memref<512xi32, #tpu.memory_space<vmem>>) target(%dma_start3A_32 : memref<512xi32, #tpu.memory_space<hbm>>) target_semaphore(%run_scoped3A : memref<!tpu.dma_semaphore, #tpu.memory_space<semaphore_mem>>)
        %dma_wait3A = arith.constant 0 : i32
        %dma_wait3A_35 = tpu.memref_slice %arg7[%dma_wait3A] : memref<528xi32, #tpu.memory_space<vmem>> -> memref<512xi32, #tpu.memory_space<vmem>>
        %dma_wait3A_36 = arith.constant 0 : i32
        %dma_wait3A_37 = tpu.memref_slice %arg3[%add3A_14, %dma_wait3A_36] : memref<5120x512xi32, #tpu.memory_space<hbm>> -> memref<1x512xi32, #tpu.memory_space<hbm>>
        %dma_wait3A_38 = tpu.memref_squeeze %dma_wait3A_37 : memref<1x512xi32, #tpu.memory_space<hbm>> -> memref<512xi32, #tpu.memory_space<hbm>>
        %dma_wait3A_39 = arith.constant 0 : i32
        %dma_wait3A_40 = tpu.memref_slice %arg3[%add3A_14, %dma_wait3A_39] : memref<5120x512xi32, #tpu.memory_space<hbm>> -> memref<1x512xi32, #tpu.memory_space<hbm>>
        %dma_wait3A_41 = tpu.memref_squeeze %dma_wait3A_40 : memref<1x512xi32, #tpu.memory_space<hbm>> -> memref<512xi32, #tpu.memory_space<hbm>>
        %dma_wait3A_42 = arith.constant 0 : i32
        %dma_wait3A_43 = tpu.memref_slice %arg7[%dma_wait3A_42] : memref<528xi32, #tpu.memory_space<vmem>> -> memref<512xi32, #tpu.memory_space<vmem>>
        tpu.wait_dma2 semaphore(%run_scoped3A : memref<!tpu.dma_semaphore, #tpu.memory_space<semaphore_mem>>) src(%dma_wait3A_43 : memref<512xi32, #tpu.memory_space<vmem>>) dst(%dma_wait3A_41 : memref<512xi32, #tpu.memory_space<hbm>>)
        tpu.yield
      }) : () -> ()
      "tpu.region"() ({
        %run_scoped3A = tpu.sem_alloc : memref<!tpu.dma_semaphore, #tpu.memory_space<semaphore_mem>>
        %dma_start3A = arith.constant 0 : i32
        %dma_start3A_26 = tpu.memref_slice %arg8[%dma_start3A] : memref<528xf32, #tpu.memory_space<vmem>> -> memref<512xf32, #tpu.memory_space<vmem>>
        %dma_start3A_27 = arith.constant 0 : i32
        %dma_start3A_28 = tpu.memref_slice %arg4[%add3A_14, %dma_start3A_27] : memref<5120x512xf32, #tpu.memory_space<hbm>> -> memref<1x512xf32, #tpu.memory_space<hbm>>
        %dma_start3A_29 = tpu.memref_squeeze %dma_start3A_28 : memref<1x512xf32, #tpu.memory_space<hbm>> -> memref<512xf32, #tpu.memory_space<hbm>>
        %dma_start3A_30 = arith.constant 0 : i32
        %dma_start3A_31 = tpu.memref_slice %arg4[%add3A_14, %dma_start3A_30] : memref<5120x512xf32, #tpu.memory_space<hbm>> -> memref<1x512xf32, #tpu.memory_space<hbm>>
        %dma_start3A_32 = tpu.memref_squeeze %dma_start3A_31 : memref<1x512xf32, #tpu.memory_space<hbm>> -> memref<512xf32, #tpu.memory_space<hbm>>
        %dma_start3A_33 = arith.constant 0 : i32
        %dma_start3A_34 = tpu.memref_slice %arg8[%dma_start3A_33] : memref<528xf32, #tpu.memory_space<vmem>> -> memref<512xf32, #tpu.memory_space<vmem>>
        tpu.enqueue_dma source(%dma_start3A_34 : memref<512xf32, #tpu.memory_space<vmem>>) target(%dma_start3A_32 : memref<512xf32, #tpu.memory_space<hbm>>) target_semaphore(%run_scoped3A : memref<!tpu.dma_semaphore, #tpu.memory_space<semaphore_mem>>)
        %dma_wait3A = arith.constant 0 : i32
        %dma_wait3A_35 = tpu.memref_slice %arg8[%dma_wait3A] : memref<528xf32, #tpu.memory_space<vmem>> -> memref<512xf32, #tpu.memory_space<vmem>>
        %dma_wait3A_36 = arith.constant 0 : i32
        %dma_wait3A_37 = tpu.memref_slice %arg4[%add3A_14, %dma_wait3A_36] : memref<5120x512xf32, #tpu.memory_space<hbm>> -> memref<1x512xf32, #tpu.memory_space<hbm>>
        %dma_wait3A_38 = tpu.memref_squeeze %dma_wait3A_37 : memref<1x512xf32, #tpu.memory_space<hbm>> -> memref<512xf32, #tpu.memory_space<hbm>>
        %dma_wait3A_39 = arith.constant 0 : i32
        %dma_wait3A_40 = tpu.memref_slice %arg4[%add3A_14, %dma_wait3A_39] : memref<5120x512xf32, #tpu.memory_space<hbm>> -> memref<1x512xf32, #tpu.memory_space<hbm>>
        %dma_wait3A_41 = tpu.memref_squeeze %dma_wait3A_40 : memref<1x512xf32, #tpu.memory_space<hbm>> -> memref<512xf32, #tpu.memory_space<hbm>>
        %dma_wait3A_42 = arith.constant 0 : i32
        %dma_wait3A_43 = tpu.memref_slice %arg8[%dma_wait3A_42] : memref<528xf32, #tpu.memory_space<vmem>> -> memref<512xf32, #tpu.memory_space<vmem>>
        tpu.wait_dma2 semaphore(%run_scoped3A : memref<!tpu.dma_semaphore, #tpu.memory_space<semaphore_mem>>) src(%dma_wait3A_43 : memref<512xf32, #tpu.memory_space<vmem>>) dst(%dma_wait3A_41 : memref<512xf32, #tpu.memory_space<hbm>>)
        tpu.yield
      }) : () -> ()
      %scan3A_25 = arith.constant 0 : i32
      scf.yield %scan3A_25 : i32
    }
    %scan3A_9 = arith.constant 160 : i32
    %mul3A_10 = arith.constant 16 : i32
    %mul3A_11 = arith.muli %mul3A_2, %mul3A_10 : i32
    "tpu.region"() ({
      %run_scoped3A = tpu.sem_alloc : memref<!tpu.dma_semaphore, #tpu.memory_space<semaphore_mem>>
      %dma_start3A = tpu.memref_slice %arg5[%mul3A_11] : memref<81920xi32, #tpu.memory_space<hbm>> -> memref<2560xi32, #tpu.memory_space<hbm>>
      %dma_start3A_12 = tpu.memref_slice %arg5[%mul3A_11] : memref<81920xi32, #tpu.memory_space<hbm>> -> memref<2560xi32, #tpu.memory_space<hbm>>
      tpu.enqueue_dma source(%arg9 : memref<2560xi32, #tpu.memory_space<vmem>>) target(%dma_start3A_12 : memref<2560xi32, #tpu.memory_space<hbm>>) target_semaphore(%run_scoped3A : memref<!tpu.dma_semaphore, #tpu.memory_space<semaphore_mem>>)
      %dma_wait3A = tpu.memref_slice %arg5[%mul3A_11] : memref<81920xi32, #tpu.memory_space<hbm>> -> memref<2560xi32, #tpu.memory_space<hbm>>
      %dma_wait3A_13 = tpu.memref_slice %arg5[%mul3A_11] : memref<81920xi32, #tpu.memory_space<hbm>> -> memref<2560xi32, #tpu.memory_space<hbm>>
      tpu.wait_dma2 semaphore(%run_scoped3A : memref<!tpu.dma_semaphore, #tpu.memory_space<semaphore_mem>>) src(%arg9 : memref<2560xi32, #tpu.memory_space<vmem>>) dst(%dma_wait3A_13 : memref<2560xi32, #tpu.memory_space<hbm>>)
      tpu.yield
    }) : () -> ()
    return
  }
}

#map = affine_map<(d0, d1) -> (0, 0)>
#map1 = affine_map<(d0, d1) -> (0)>
module attributes {stable_mosaic.version = 14 : i64} {
  func.func @_gather_body(%arg0: i32, %arg1: i32, %arg2: memref<10000x64xf32, #tpu.memory_space<hbm>>, %arg3: memref<327680xi32, #tpu.memory_space<hbm>>, %arg4: memref<327680x64xf32, #tpu.memory_space<hbm>>, %arg5: memref<512xi32, #tpu.memory_space<vmem>>, %arg6: memref<512x64xf32, #tpu.memory_space<vmem>>, %arg7: memref<!tpu.dma_semaphore, #tpu.memory_space<semaphore_mem>>) attributes {dimension_semantics = [#tpu.dimension_semantics<core_parallel>, #tpu.dimension_semantics<subcore_parallel>], iteration_bounds = array<i64: 2, 16>, scalar_prefetch = 0 : i64, scratch_operands = 3 : i64, tpu.core_type = #tpu.core_type<sc_vector_subcore>, window_params = [{transform_indices = #map}, {transform_indices = #map1}, {transform_indices = #map}]} {
    %mul3A = arith.constant 2 : i32
    %mul3A_0 = arith.muli %arg1, %mul3A : i32
    %add3A = arith.addi %mul3A_0, %arg0 : i32
    %scan3A = arith.constant 0 : i32
    %scan3A_1 = arith.constant 0 : i32
    %scan3A_2 = arith.constant 20 : i32
    %scan3A_3 = arith.addi %scan3A_1, %scan3A_2 : i32
    %scan3A_4 = arith.constant 1 : i32
    %scan3A_5 = scf.for %scan3A_7 = %scan3A_1 to %scan3A_3 step %scan3A_4 iter_args(%scan3A_8 = %scan3A) -> (i32)  : i32 {
      %mul3A_9 = arith.constant 10240 : i32
      %mul3A_10 = arith.muli %add3A, %mul3A_9 : i32
      %mul3A_11 = arith.constant 512 : i32
      %mul3A_12 = arith.muli %scan3A_7, %mul3A_11 : i32
      %add3A_13 = arith.addi %mul3A_10, %mul3A_12 : i32
      "tpu.region"() ({
        %run_scoped3A = tpu.sem_alloc : memref<!tpu.dma_semaphore, #tpu.memory_space<semaphore_mem>>
        %dma_start3A_19 = tpu.memref_slice %arg3[%add3A_13] : memref<327680xi32, #tpu.memory_space<hbm>> -> memref<512xi32, #tpu.memory_space<hbm>>
        %dma_start3A_20 = tpu.memref_slice %arg3[%add3A_13] : memref<327680xi32, #tpu.memory_space<hbm>> -> memref<512xi32, #tpu.memory_space<hbm>>
        tpu.enqueue_dma source(%dma_start3A_20 : memref<512xi32, #tpu.memory_space<hbm>>) target(%arg5 : memref<512xi32, #tpu.memory_space<vmem>>) target_semaphore(%run_scoped3A : memref<!tpu.dma_semaphore, #tpu.memory_space<semaphore_mem>>)
        %dma_wait3A_21 = tpu.memref_slice %arg3[%add3A_13] : memref<327680xi32, #tpu.memory_space<hbm>> -> memref<512xi32, #tpu.memory_space<hbm>>
        %dma_wait3A_22 = tpu.memref_slice %arg3[%add3A_13] : memref<327680xi32, #tpu.memory_space<hbm>> -> memref<512xi32, #tpu.memory_space<hbm>>
        tpu.wait_dma2 semaphore(%run_scoped3A : memref<!tpu.dma_semaphore, #tpu.memory_space<semaphore_mem>>) src(%dma_wait3A_22 : memref<512xi32, #tpu.memory_space<hbm>>) dst(%arg5 : memref<512xi32, #tpu.memory_space<vmem>>)
        tpu.yield
      }) : () -> ()
      %dma_start3A = arith.constant 0 : i32
      %dma_start3A_14 = arith.constant 0 : i32
      %dma_start3A_15 = tpu.memref_slice %arg2[%dma_start3A, %dma_start3A_14] : memref<10000x64xf32, #tpu.memory_space<hbm>> -> memref<10000x64xf32, #tpu.memory_space<hbm>>
      tpu.enqueue_indirect_dma source(%dma_start3A_15 : memref<10000x64xf32, #tpu.memory_space<hbm>>) target(%arg6 : memref<512x64xf32, #tpu.memory_space<vmem>>) offsets(%arg5 : memref<512xi32, #tpu.memory_space<vmem>>) semaphore(%arg7 : memref<!tpu.dma_semaphore, #tpu.memory_space<semaphore_mem>>)
      %dma_wait3A = arith.constant 0 : i32
      %dma_wait3A_16 = arith.constant 0 : i32
      %dma_wait3A_17 = tpu.memref_slice %arg2[%dma_wait3A, %dma_wait3A_16] : memref<10000x64xf32, #tpu.memory_space<hbm>> -> memref<10000x64xf32, #tpu.memory_space<hbm>>
      tpu.wait_indirect_dma semaphore(%arg7 : memref<!tpu.dma_semaphore, #tpu.memory_space<semaphore_mem>>) src(%dma_wait3A_17 : memref<10000x64xf32, #tpu.memory_space<hbm>>) dst(%arg6 : memref<512x64xf32, #tpu.memory_space<vmem>>)
      "tpu.region"() ({
        %run_scoped3A = tpu.sem_alloc : memref<!tpu.dma_semaphore, #tpu.memory_space<semaphore_mem>>
        %dma_start3A_19 = arith.constant 0 : i32
        %dma_start3A_20 = tpu.memref_slice %arg4[%add3A_13, %dma_start3A_19] : memref<327680x64xf32, #tpu.memory_space<hbm>> -> memref<512x64xf32, #tpu.memory_space<hbm>>
        %dma_start3A_21 = arith.constant 0 : i32
        %dma_start3A_22 = tpu.memref_slice %arg4[%add3A_13, %dma_start3A_21] : memref<327680x64xf32, #tpu.memory_space<hbm>> -> memref<512x64xf32, #tpu.memory_space<hbm>>
        tpu.enqueue_dma source(%arg6 : memref<512x64xf32, #tpu.memory_space<vmem>>) target(%dma_start3A_22 : memref<512x64xf32, #tpu.memory_space<hbm>>) target_semaphore(%run_scoped3A : memref<!tpu.dma_semaphore, #tpu.memory_space<semaphore_mem>>)
        %dma_wait3A_23 = arith.constant 0 : i32
        %dma_wait3A_24 = tpu.memref_slice %arg4[%add3A_13, %dma_wait3A_23] : memref<327680x64xf32, #tpu.memory_space<hbm>> -> memref<512x64xf32, #tpu.memory_space<hbm>>
        %dma_wait3A_25 = arith.constant 0 : i32
        %dma_wait3A_26 = tpu.memref_slice %arg4[%add3A_13, %dma_wait3A_25] : memref<327680x64xf32, #tpu.memory_space<hbm>> -> memref<512x64xf32, #tpu.memory_space<hbm>>
        tpu.wait_dma2 semaphore(%run_scoped3A : memref<!tpu.dma_semaphore, #tpu.memory_space<semaphore_mem>>) src(%arg6 : memref<512x64xf32, #tpu.memory_space<vmem>>) dst(%dma_wait3A_26 : memref<512x64xf32, #tpu.memory_space<hbm>>)
        tpu.yield
      }) : () -> ()
      %scan3A_18 = arith.constant 0 : i32
      scf.yield %scan3A_18 : i32
    }
    %scan3A_6 = arith.constant 20 : i32
    return
  }
}

module attributes {stable_mosaic.version = 14 : i64} {
  func.func @_fps_body(%arg0: memref<80x128xf32, #tpu.memory_space<vmem>>, %arg1: memref<80x128xf32, #tpu.memory_space<vmem>>, %arg2: memref<80x128xf32, #tpu.memory_space<vmem>>, %arg3: memref<80x128xf32, #tpu.memory_space<vmem>>, %arg4: memref<5000x3xf32, #tpu.memory_space<vmem>>, %arg5: memref<5000x1xf32, #tpu.memory_space<vmem>>) attributes {dimension_semantics = [], scalar_prefetch = 0 : i64, scratch_operands = 0 : i64, tpu.core_type = #tpu.core_type<tc>} {
    %get3A = arith.constant 0 : index
    %get3A_0 = arith.constant 0 : index
    %get3A_1 = vector.load %arg0[%get3A, %get3A_0] : memref<80x128xf32, #tpu.memory_space<vmem>>, vector<80x128xf32>
    %get3A_2 = arith.constant 0 : index
    %get3A_3 = arith.constant 0 : index
    %get3A_4 = vector.load %arg1[%get3A_2, %get3A_3] : memref<80x128xf32, #tpu.memory_space<vmem>>, vector<80x128xf32>
    %get3A_5 = arith.constant 0 : index
    %get3A_6 = arith.constant 0 : index
    %get3A_7 = vector.load %arg2[%get3A_5, %get3A_6] : memref<80x128xf32, #tpu.memory_space<vmem>>, vector<80x128xf32>
    %get3A_8 = arith.constant 0 : index
    %get3A_9 = arith.constant 0 : index
    %get3A_10 = vector.load %arg3[%get3A_8, %get3A_9] : memref<80x128xf32, #tpu.memory_space<vmem>>, vector<80x128xf32>
    %iota3A = tpu.iota {dimensions = array<i32: 0>} : vector<80x128xi32>
    %iota3A_11 = tpu.iota {dimensions = array<i32: 1>} : vector<80x128xi32>
    %mul3A = arith.constant 128 : i32
    %mul3A_12 = vector.broadcast %mul3A : i32 to vector<80x128xi32>
    %mul3A_13 = arith.muli %iota3A, %mul3A_12 : vector<80x128xi32>
    %add3A = arith.addi %mul3A_13, %iota3A_11 : vector<80x128xi32>
    %lt3A = arith.constant 10000 : i32
    %lt3A_14 = vector.broadcast %lt3A : i32 to vector<80x128xi32>
    %lt3A_15 = arith.cmpi slt, %add3A, %lt3A_14 : vector<80x128xi32>
    %jit3A = arith.constant 0x7F800000 : f32
    %jit3A_16 = arith.constant 0xFF800000 : f32
    %broadcast_in_dim3A = vector.broadcast %jit3A : f32 to vector<80x128xf32>
    %broadcast_in_dim3A_17 = vector.broadcast %jit3A_16 : f32 to vector<80x128xf32>
    %select_n3A = arith.select %lt3A_15, %broadcast_in_dim3A, %broadcast_in_dim3A_17 : vector<80x128xi1>, vector<80x128xf32>
    %broadcast_in_dim3A_18 = arith.constant 0 : i32
    %broadcast_in_dim3A_19 = vector.broadcast %broadcast_in_dim3A_18 : i32 to vector<1x1xi32>
    %scan3A = arith.constant 0xFF800000 : f32
    %scan3A_20 = arith.constant 1 : i32
    %scan3A_21 = arith.constant 4999 : i32
    %scan3A_22 = arith.addi %scan3A_20, %scan3A_21 : i32
    %scan3A_23 = arith.constant 1 : i32
    %scan3A_24:2 = scf.for %scan3A_67 = %scan3A_20 to %scan3A_22 step %scan3A_23 iter_args(%scan3A_68 = %broadcast_in_dim3A_19, %scan3A_69 = %select_n3A) -> (vector<1x1xi32>, vector<80x128xf32>)  : i32 {
      %eq3A_70 = vector.broadcast %scan3A_68 : vector<1x1xi32> to vector<80x128xi32>
      %eq3A_71 = arith.cmpi eq, %add3A, %eq3A_70 : vector<80x128xi32>
      %broadcast_in_dim3A_72 = vector.broadcast %scan3A : f32 to vector<80x128xf32>
      %select_n3A_73 = arith.select %eq3A_71, %get3A_1, %broadcast_in_dim3A_72 : vector<80x128xi1>, vector<80x128xf32>
      %reduce_max3A_74 = vector.shape_cast %select_n3A_73 : vector<80x128xf32> to vector<1x80x128xf32>
      %reduce_max3A_75 = arith.constant dense<0xFF800000> : vector<1xf32>
      %reduce_max3A_76 = vector.multi_reduction <maximumf>, %reduce_max3A_74, %reduce_max3A_75 [1, 2] : vector<1x80x128xf32> to vector<1xf32>
      %reduce_max3A_77 = vector.shape_cast %reduce_max3A_76 : vector<1xf32> to vector<1x1x1xf32>
      %reduce_max3A_78 = vector.extract %reduce_max3A_77[0, 0, 0] : f32 from vector<1x1x1xf32>
      %broadcast_in_dim3A_79 = vector.broadcast %reduce_max3A_78 : f32 to vector<1x1xf32>
      %broadcast_in_dim3A_80 = vector.broadcast %scan3A : f32 to vector<80x128xf32>
      %select_n3A_81 = arith.select %eq3A_71, %get3A_4, %broadcast_in_dim3A_80 : vector<80x128xi1>, vector<80x128xf32>
      %reduce_max3A_82 = vector.shape_cast %select_n3A_81 : vector<80x128xf32> to vector<1x80x128xf32>
      %reduce_max3A_83 = arith.constant dense<0xFF800000> : vector<1xf32>
      %reduce_max3A_84 = vector.multi_reduction <maximumf>, %reduce_max3A_82, %reduce_max3A_83 [1, 2] : vector<1x80x128xf32> to vector<1xf32>
      %reduce_max3A_85 = vector.shape_cast %reduce_max3A_84 : vector<1xf32> to vector<1x1x1xf32>
      %reduce_max3A_86 = vector.extract %reduce_max3A_85[0, 0, 0] : f32 from vector<1x1x1xf32>
      %broadcast_in_dim3A_87 = vector.broadcast %reduce_max3A_86 : f32 to vector<1x1xf32>
      %broadcast_in_dim3A_88 = vector.broadcast %scan3A : f32 to vector<80x128xf32>
      %select_n3A_89 = arith.select %eq3A_71, %get3A_7, %broadcast_in_dim3A_88 : vector<80x128xi1>, vector<80x128xf32>
      %reduce_max3A_90 = vector.shape_cast %select_n3A_89 : vector<80x128xf32> to vector<1x80x128xf32>
      %reduce_max3A_91 = arith.constant dense<0xFF800000> : vector<1xf32>
      %reduce_max3A_92 = vector.multi_reduction <maximumf>, %reduce_max3A_90, %reduce_max3A_91 [1, 2] : vector<1x80x128xf32> to vector<1xf32>
      %reduce_max3A_93 = vector.shape_cast %reduce_max3A_92 : vector<1xf32> to vector<1x1x1xf32>
      %reduce_max3A_94 = vector.extract %reduce_max3A_93[0, 0, 0] : f32 from vector<1x1x1xf32>
      %broadcast_in_dim3A_95 = vector.broadcast %reduce_max3A_94 : f32 to vector<1x1xf32>
      %broadcast_in_dim3A_96 = vector.broadcast %scan3A : f32 to vector<80x128xf32>
      %select_n3A_97 = arith.select %eq3A_71, %get3A_10, %broadcast_in_dim3A_96 : vector<80x128xi1>, vector<80x128xf32>
      %reduce_max3A_98 = vector.shape_cast %select_n3A_97 : vector<80x128xf32> to vector<1x80x128xf32>
      %reduce_max3A_99 = arith.constant dense<0xFF800000> : vector<1xf32>
      %reduce_max3A_100 = vector.multi_reduction <maximumf>, %reduce_max3A_98, %reduce_max3A_99 [1, 2] : vector<1x80x128xf32> to vector<1xf32>
      %reduce_max3A_101 = vector.shape_cast %reduce_max3A_100 : vector<1xf32> to vector<1x1x1xf32>
      %reduce_max3A_102 = vector.extract %reduce_max3A_101[0, 0, 0] : f32 from vector<1x1x1xf32>
      %broadcast_in_dim3A_103 = vector.broadcast %reduce_max3A_102 : f32 to vector<1x1xf32>
      %concatenate3A_104 = tpu.concatenate %broadcast_in_dim3A_79, %broadcast_in_dim3A_87, %broadcast_in_dim3A_95 in 1 : vector<1x1xf32>, vector<1x1xf32>, vector<1x1xf32> -> vector<1x3xf32>
      %sub3A = arith.constant 1 : i32
      %sub3A_105 = arith.subi %scan3A_67, %sub3A : i32
      %swap3A_106 = arith.index_cast %sub3A_105 : i32 to index
      %swap3A_107 = arith.constant 0 : index
      %swap3A_108 = vector.load %arg4[%swap3A_106, %swap3A_107] : memref<5000x3xf32, #tpu.memory_space<vmem>>, vector<1x3xf32>
      tpu.vector_store %arg4[%swap3A_106, %swap3A_107], %concatenate3A_104 {strides = array<i32>} : memref<5000x3xf32, #tpu.memory_space<vmem>>, vector<1x3xf32>,
      %sub3A_109 = arith.constant 1 : i32
      %sub3A_110 = arith.subi %scan3A_67, %sub3A_109 : i32
      %swap3A_111 = arith.index_cast %sub3A_110 : i32 to index
      %swap3A_112 = arith.constant 0 : index
      %swap3A_113 = vector.load %arg5[%swap3A_111, %swap3A_112] : memref<5000x1xf32, #tpu.memory_space<vmem>>, vector<1x1xf32>
      tpu.vector_store %arg5[%swap3A_111, %swap3A_112], %broadcast_in_dim3A_103 {strides = array<i32>} : memref<5000x1xf32, #tpu.memory_space<vmem>>, vector<1x1xf32>,
      %sub3A_114 = vector.broadcast %broadcast_in_dim3A_79 : vector<1x1xf32> to vector<80x128xf32>
      %sub3A_115 = arith.subf %get3A_1, %sub3A_114 : vector<80x128xf32>
      %sub3A_116 = vector.broadcast %broadcast_in_dim3A_87 : vector<1x1xf32> to vector<80x128xf32>
      %sub3A_117 = arith.subf %get3A_4, %sub3A_116 : vector<80x128xf32>
      %sub3A_118 = vector.broadcast %broadcast_in_dim3A_95 : vector<1x1xf32> to vector<80x128xf32>
      %sub3A_119 = arith.subf %get3A_7, %sub3A_118 : vector<80x128xf32>
      %mul3A_120 = arith.mulf %sub3A_115, %sub3A_115 : vector<80x128xf32>
      %mul3A_121 = arith.mulf %sub3A_119, %sub3A_119 : vector<80x128xf32>
      %add3A_122 = arith.addf %mul3A_120, %mul3A_121 : vector<80x128xf32>
      %mul3A_123 = arith.mulf %sub3A_117, %sub3A_117 : vector<80x128xf32>
      %add3A_124 = arith.addf %add3A_122, %mul3A_123 : vector<80x128xf32>
      %min3A = arith.minimumf %scan3A_69, %add3A_124 : vector<80x128xf32>
      %reduce_max3A_125 = vector.shape_cast %min3A : vector<80x128xf32> to vector<1x80x128xf32>
      %reduce_max3A_126 = arith.constant dense<0xFF800000> : vector<1xf32>
      %reduce_max3A_127 = vector.multi_reduction <maximumf>, %reduce_max3A_125, %reduce_max3A_126 [1, 2] : vector<1x80x128xf32> to vector<1xf32>
      %reduce_max3A_128 = vector.shape_cast %reduce_max3A_127 : vector<1xf32> to vector<1x1x1xf32>
      %reduce_max3A_129 = vector.extract %reduce_max3A_128[0, 0, 0] : f32 from vector<1x1x1xf32>
      %broadcast_in_dim3A_130 = vector.broadcast %reduce_max3A_129 : f32 to vector<1x1xf32>
      %eq3A_131 = vector.broadcast %broadcast_in_dim3A_130 : vector<1x1xf32> to vector<80x128xf32>
      %eq3A_132 = arith.cmpf oeq, %min3A, %eq3A_131 : vector<80x128xf32>
      %jit3A_133 = arith.constant 1073741824 : i32
      %broadcast_in_dim3A_134 = vector.broadcast %jit3A_133 : i32 to vector<80x128xi32>
      %select_n3A_135 = arith.select %eq3A_132, %add3A, %broadcast_in_dim3A_134 : vector<80x128xi1>, vector<80x128xi32>
      %reduce_min3A = vector.shape_cast %select_n3A_135 : vector<80x128xi32> to vector<1x80x128xi32>
      %reduce_min3A_136 = arith.constant dense<2147483647> : vector<1xi32>
      %reduce_min3A_137 = vector.multi_reduction <minsi>, %reduce_min3A, %reduce_min3A_136 [1, 2] : vector<1x80x128xi32> to vector<1xi32>
      %reduce_min3A_138 = vector.shape_cast %reduce_min3A_137 : vector<1xi32> to vector<1x1x1xi32>
      %reduce_min3A_139 = vector.extract %reduce_min3A_138[0, 0, 0] : i32 from vector<1x1x1xi32>
      %broadcast_in_dim3A_140 = vector.broadcast %reduce_min3A_139 : i32 to vector<1x1xi32>
      scf.yield %broadcast_in_dim3A_140, %min3A : vector<1x1xi32>, vector<80x128xf32>
    }
    %scan3A_25 = arith.constant 4999 : i32
    %eq3A = vector.broadcast %scan3A_24#0 : vector<1x1xi32> to vector<80x128xi32>
    %eq3A_26 = arith.cmpi eq, %add3A, %eq3A : vector<80x128xi32>
    %jit3A_27 = arith.constant 0xFF800000 : f32
    %broadcast_in_dim3A_28 = vector.broadcast %jit3A_27 : f32 to vector<80x128xf32>
    %select_n3A_29 = arith.select %eq3A_26, %get3A_1, %broadcast_in_dim3A_28 : vector<80x128xi1>, vector<80x128xf32>
    %reduce_max3A = vector.shape_cast %select_n3A_29 : vector<80x128xf32> to vector<1x80x128xf32>
    %reduce_max3A_30 = arith.constant dense<0xFF800000> : vector<1xf32>
    %reduce_max3A_31 = vector.multi_reduction <maximumf>, %reduce_max3A, %reduce_max3A_30 [1, 2] : vector<1x80x128xf32> to vector<1xf32>
    %reduce_max3A_32 = vector.shape_cast %reduce_max3A_31 : vector<1xf32> to vector<1x1x1xf32>
    %reduce_max3A_33 = vector.extract %reduce_max3A_32[0, 0, 0] : f32 from vector<1x1x1xf32>
    %broadcast_in_dim3A_34 = vector.broadcast %reduce_max3A_33 : f32 to vector<1x1xf32>
    %jit3A_35 = arith.constant 0xFF800000 : f32
    %broadcast_in_dim3A_36 = vector.broadcast %jit3A_35 : f32 to vector<80x128xf32>
    %select_n3A_37 = arith.select %eq3A_26, %get3A_4, %broadcast_in_dim3A_36 : vector<80x128xi1>, vector<80x128xf32>
    %reduce_max3A_38 = vector.shape_cast %select_n3A_37 : vector<80x128xf32> to vector<1x80x128xf32>
    %reduce_max3A_39 = arith.constant dense<0xFF800000> : vector<1xf32>
    %reduce_max3A_40 = vector.multi_reduction <maximumf>, %reduce_max3A_38, %reduce_max3A_39 [1, 2] : vector<1x80x128xf32> to vector<1xf32>
    %reduce_max3A_41 = vector.shape_cast %reduce_max3A_40 : vector<1xf32> to vector<1x1x1xf32>
    %reduce_max3A_42 = vector.extract %reduce_max3A_41[0, 0, 0] : f32 from vector<1x1x1xf32>
    %broadcast_in_dim3A_43 = vector.broadcast %reduce_max3A_42 : f32 to vector<1x1xf32>
    %jit3A_44 = arith.constant 0xFF800000 : f32
    %broadcast_in_dim3A_45 = vector.broadcast %jit3A_44 : f32 to vector<80x128xf32>
    %select_n3A_46 = arith.select %eq3A_26, %get3A_7, %broadcast_in_dim3A_45 : vector<80x128xi1>, vector<80x128xf32>
    %reduce_max3A_47 = vector.shape_cast %select_n3A_46 : vector<80x128xf32> to vector<1x80x128xf32>
    %reduce_max3A_48 = arith.constant dense<0xFF800000> : vector<1xf32>
    %reduce_max3A_49 = vector.multi_reduction <maximumf>, %reduce_max3A_47, %reduce_max3A_48 [1, 2] : vector<1x80x128xf32> to vector<1xf32>
    %reduce_max3A_50 = vector.shape_cast %reduce_max3A_49 : vector<1xf32> to vector<1x1x1xf32>
    %reduce_max3A_51 = vector.extract %reduce_max3A_50[0, 0, 0] : f32 from vector<1x1x1xf32>
    %broadcast_in_dim3A_52 = vector.broadcast %reduce_max3A_51 : f32 to vector<1x1xf32>
    %jit3A_53 = arith.constant 0xFF800000 : f32
    %broadcast_in_dim3A_54 = vector.broadcast %jit3A_53 : f32 to vector<80x128xf32>
    %select_n3A_55 = arith.select %eq3A_26, %get3A_10, %broadcast_in_dim3A_54 : vector<80x128xi1>, vector<80x128xf32>
    %reduce_max3A_56 = vector.shape_cast %select_n3A_55 : vector<80x128xf32> to vector<1x80x128xf32>
    %reduce_max3A_57 = arith.constant dense<0xFF800000> : vector<1xf32>
    %reduce_max3A_58 = vector.multi_reduction <maximumf>, %reduce_max3A_56, %reduce_max3A_57 [1, 2] : vector<1x80x128xf32> to vector<1xf32>
    %reduce_max3A_59 = vector.shape_cast %reduce_max3A_58 : vector<1xf32> to vector<1x1x1xf32>
    %reduce_max3A_60 = vector.extract %reduce_max3A_59[0, 0, 0] : f32 from vector<1x1x1xf32>
    %broadcast_in_dim3A_61 = vector.broadcast %reduce_max3A_60 : f32 to vector<1x1xf32>
    %concatenate3A = tpu.concatenate %broadcast_in_dim3A_34, %broadcast_in_dim3A_43, %broadcast_in_dim3A_52 in 1 : vector<1x1xf32>, vector<1x1xf32>, vector<1x1xf32> -> vector<1x3xf32>
    %swap3A = arith.constant 4999 : index
    %swap3A_62 = arith.constant 0 : index
    %swap3A_63 = vector.load %arg4[%swap3A, %swap3A_62] : memref<5000x3xf32, #tpu.memory_space<vmem>>, vector<1x3xf32>
    tpu.vector_store %arg4[%swap3A, %swap3A_62], %concatenate3A {strides = array<i32>} : memref<5000x3xf32, #tpu.memory_space<vmem>>, vector<1x3xf32>,
    %swap3A_64 = arith.constant 4999 : index
    %swap3A_65 = arith.constant 0 : index
    %swap3A_66 = vector.load %arg5[%swap3A_64, %swap3A_65] : memref<5000x1xf32, #tpu.memory_space<vmem>>, vector<1x1xf32>
    tpu.vector_store %arg5[%swap3A_64, %swap3A_65], %broadcast_in_dim3A_61 {strides = array<i32>} : memref<5000x1xf32, #tpu.memory_space<vmem>>, vector<1x1xf32>,
    return
  }
}

module attributes {stable_mosaic.version = 14 : i64} {
  func.func @_d2_body(%arg0: i32, %arg1: memref<160x3xf32, #tpu.memory_space<vmem>>, %arg2: memref<1x10240xf32, #tpu.memory_space<vmem>>, %arg3: memref<1x10240xf32, #tpu.memory_space<vmem>>, %arg4: memref<1x10240xf32, #tpu.memory_space<vmem>>, %arg5: memref<160x10240xf32, #tpu.memory_space<vmem>>) attributes {dimension_semantics = [#tpu.dimension_semantics<arbitrary>], iteration_bounds = array<i64: 32>, scalar_prefetch = 0 : i64, scratch_operands = 0 : i64, tpu.core_type = #tpu.core_type<tc>, window_params = [{transform_indices = @transform_0, window_bounds = array<i64: 160, 3>}, {pipeline_mode = #tpu.pipeline_mode<synchronous>, transform_indices = @transform_1, window_bounds = array<i64: 1, 10240>}, {pipeline_mode = #tpu.pipeline_mode<synchronous>, transform_indices = @transform_2, window_bounds = array<i64: 1, 10240>}, {pipeline_mode = #tpu.pipeline_mode<synchronous>, transform_indices = @transform_3, window_bounds = array<i64: 1, 10240>}, {transform_indices = @transform_4, window_bounds = array<i64: 160, 10240>}]} {
    %get3A = arith.constant 0 : index
    %get3A_0 = arith.constant 0 : index
    %get3A_1 = vector.load %arg1[%get3A, %get3A_0] : memref<160x3xf32, #tpu.memory_space<vmem>>, vector<160x3xf32>
    %slice3A = vector.extract_strided_slice %get3A_1 {offsets = [0, 0], sizes = [160, 1], strides = [1, 1]} : vector<160x3xf32> to vector<160x1xf32>
    %get3A_2 = arith.constant 0 : index
    %get3A_3 = arith.constant 0 : index
    %get3A_4 = vector.load %arg2[%get3A_2, %get3A_3] : memref<1x10240xf32, #tpu.memory_space<vmem>>, vector<1x10240xf32>
    %sub3A = vector.broadcast %slice3A : vector<160x1xf32> to vector<160x10240xf32>
    %sub3A_5 = vector.broadcast %get3A_4 : vector<1x10240xf32> to vector<160x10240xf32>
    %sub3A_6 = arith.subf %sub3A, %sub3A_5 : vector<160x10240xf32>
    %slice3A_7 = vector.extract_strided_slice %get3A_1 {offsets = [0, 1], sizes = [160, 1], strides = [1, 1]} : vector<160x3xf32> to vector<160x1xf32>
    %get3A_8 = arith.constant 0 : index
    %get3A_9 = arith.constant 0 : index
    %get3A_10 = vector.load %arg3[%get3A_8, %get3A_9] : memref<1x10240xf32, #tpu.memory_space<vmem>>, vector<1x10240xf32>
    %sub3A_11 = vector.broadcast %slice3A_7 : vector<160x1xf32> to vector<160x10240xf32>
    %sub3A_12 = vector.broadcast %get3A_10 : vector<1x10240xf32> to vector<160x10240xf32>
    %sub3A_13 = arith.subf %sub3A_11, %sub3A_12 : vector<160x10240xf32>
    %slice3A_14 = vector.extract_strided_slice %get3A_1 {offsets = [0, 2], sizes = [160, 1], strides = [1, 1]} : vector<160x3xf32> to vector<160x1xf32>
    %get3A_15 = arith.constant 0 : index
    %get3A_16 = arith.constant 0 : index
    %get3A_17 = vector.load %arg4[%get3A_15, %get3A_16] : memref<1x10240xf32, #tpu.memory_space<vmem>>, vector<1x10240xf32>
    %sub3A_18 = vector.broadcast %slice3A_14 : vector<160x1xf32> to vector<160x10240xf32>
    %sub3A_19 = vector.broadcast %get3A_17 : vector<1x10240xf32> to vector<160x10240xf32>
    %sub3A_20 = arith.subf %sub3A_18, %sub3A_19 : vector<160x10240xf32>
    %mul3A = arith.mulf %sub3A_6, %sub3A_6 : vector<160x10240xf32>
    %mul3A_21 = arith.mulf %sub3A_20, %sub3A_20 : vector<160x10240xf32>
    %add3A = arith.addf %mul3A, %mul3A_21 : vector<160x10240xf32>
    %mul3A_22 = arith.mulf %sub3A_13, %sub3A_13 : vector<160x10240xf32>
    %add3A_23 = arith.addf %add3A, %mul3A_22 : vector<160x10240xf32>
    %swap3A = arith.constant 0 : index
    %swap3A_24 = arith.constant 0 : index
    %swap3A_25 = vector.load %arg5[%swap3A, %swap3A_24] : memref<160x10240xf32, #tpu.memory_space<vmem>>, vector<160x10240xf32>
    tpu.vector_store %arg5[%swap3A, %swap3A_24], %add3A_23 {strides = array<i32>} : memref<160x10240xf32, #tpu.memory_space<vmem>>, vector<160x10240xf32>,
    return
  }
  func.func @transform_0(%arg0: i32) -> (i32, i32) {
    %c0_i32 = arith.constant 0 : i32
    %c0_i32_0 = arith.constant 0 : i32
    return %arg0, %c0_i32 : i32, i32
  }
  func.func @transform_1(%arg0: i32) -> (i32, i32) {
    %c0_i32 = arith.constant 0 : i32
    %c0_i32_0 = arith.constant 0 : i32
    %c0_i32_1 = arith.constant 0 : i32
    return %c0_i32, %c0_i32_0 : i32, i32
  }
  func.func @transform_2(%arg0: i32) -> (i32, i32) {
    %c0_i32 = arith.constant 0 : i32
    %c0_i32_0 = arith.constant 0 : i32
    %c0_i32_1 = arith.constant 0 : i32
    return %c0_i32, %c0_i32_0 : i32, i32
  }
  func.func @transform_3(%arg0: i32) -> (i32, i32) {
    %c0_i32 = arith.constant 0 : i32
    %c0_i32_0 = arith.constant 0 : i32
    %c0_i32_1 = arith.constant 0 : i32
    return %c0_i32, %c0_i32_0 : i32, i32
  }
  func.func @transform_4(%arg0: i32) -> (i32, i32) {
    %c0_i32 = arith.constant 0 : i32
    %c0_i32_0 = arith.constant 0 : i32
    return %arg0, %c0_i32 : i32, i32
  }
}

module attributes {stable_mosaic.version = 14 : i64} {
  func.func @_prep_body(%arg0: memref<10000x128xf32, #tpu.memory_space<vmem>>, %arg1: memref<10000x3xf32, #tpu.memory_space<vmem>>, %arg2: memref<5000x3xf32, #tpu.memory_space<vmem>>, %arg3: memref<128x64xf32, #tpu.memory_space<vmem>>, %arg4: memref<3x64xf32, #tpu.memory_space<vmem>>, %arg5: memref<1x64xf32, #tpu.memory_space<vmem>>, %arg6: memref<10000x64xf32, #tpu.memory_space<vmem>>, %arg7: memref<5000x64xf32, #tpu.memory_space<vmem>>) attributes {dimension_semantics = [], scalar_prefetch = 0 : i64, scratch_operands = 0 : i64, tpu.core_type = #tpu.core_type<tc>} {
    %get3A = arith.constant 0 : index
    %get3A_0 = arith.constant 0 : index
    %get3A_1 = vector.load %arg4[%get3A, %get3A_0] : memref<3x64xf32, #tpu.memory_space<vmem>>, vector<3x64xf32>
    %get3A_2 = arith.constant 0 : index
    %get3A_3 = arith.constant 0 : index
    %get3A_4 = vector.load %arg0[%get3A_2, %get3A_3] : memref<10000x128xf32, #tpu.memory_space<vmem>>, vector<10000x128xf32>
    %get3A_5 = arith.constant 0 : index
    %get3A_6 = arith.constant 0 : index
    %get3A_7 = vector.load %arg3[%get3A_5, %get3A_6] : memref<128x64xf32, #tpu.memory_space<vmem>>, vector<128x64xf32>
    %dot_general3A = arith.constant dense<0.000000e+00> : vector<10000x64xf32>
    %dot_general3A_8 = tpu.matmul %get3A_4, %get3A_7, %dot_general3A {dimension_numbers = #tpu.dot_dimension_numbers<[1], [0], [0], [1], [0, 0, 1, 1], [], []>, transpose_lhs_hint = false} : vector<10000x128xf32>, vector<128x64xf32>, vector<10000x64xf32> -> vector<10000x64xf32>
    %get3A_9 = arith.constant 0 : index
    %get3A_10 = arith.constant 0 : index
    %get3A_11 = vector.load %arg1[%get3A_9, %get3A_10] : memref<10000x3xf32, #tpu.memory_space<vmem>>, vector<10000x3xf32>
    %slice3A = vector.extract_strided_slice %get3A_11 {offsets = [0, 0], sizes = [10000, 1], strides = [1, 1]} : vector<10000x3xf32> to vector<10000x1xf32>
    %slice3A_12 = vector.extract_strided_slice %get3A_1 {offsets = [0, 0], sizes = [1, 64], strides = [1, 1]} : vector<3x64xf32> to vector<1x64xf32>
    %mul3A = vector.broadcast %slice3A : vector<10000x1xf32> to vector<10000x64xf32>
    %mul3A_13 = vector.broadcast %slice3A_12 : vector<1x64xf32> to vector<10000x64xf32>
    %mul3A_14 = arith.mulf %mul3A, %mul3A_13 : vector<10000x64xf32>
    %slice3A_15 = vector.extract_strided_slice %get3A_11 {offsets = [0, 1], sizes = [10000, 1], strides = [1, 1]} : vector<10000x3xf32> to vector<10000x1xf32>
    %slice3A_16 = vector.extract_strided_slice %get3A_1 {offsets = [1, 0], sizes = [1, 64], strides = [1, 1]} : vector<3x64xf32> to vector<1x64xf32>
    %mul3A_17 = vector.broadcast %slice3A_15 : vector<10000x1xf32> to vector<10000x64xf32>
    %mul3A_18 = vector.broadcast %slice3A_16 : vector<1x64xf32> to vector<10000x64xf32>
    %mul3A_19 = arith.mulf %mul3A_17, %mul3A_18 : vector<10000x64xf32>
    %add3A = arith.addf %mul3A_14, %mul3A_19 : vector<10000x64xf32>
    %slice3A_20 = vector.extract_strided_slice %get3A_11 {offsets = [0, 2], sizes = [10000, 1], strides = [1, 1]} : vector<10000x3xf32> to vector<10000x1xf32>
    %slice3A_21 = vector.extract_strided_slice %get3A_1 {offsets = [2, 0], sizes = [1, 64], strides = [1, 1]} : vector<3x64xf32> to vector<1x64xf32>
    %mul3A_22 = vector.broadcast %slice3A_20 : vector<10000x1xf32> to vector<10000x64xf32>
    %mul3A_23 = vector.broadcast %slice3A_21 : vector<1x64xf32> to vector<10000x64xf32>
    %mul3A_24 = arith.mulf %mul3A_22, %mul3A_23 : vector<10000x64xf32>
    %add3A_25 = arith.addf %add3A, %mul3A_24 : vector<10000x64xf32>
    %add3A_26 = arith.addf %dot_general3A_8, %add3A_25 : vector<10000x64xf32>
    %swap3A = arith.constant 0 : index
    %swap3A_27 = arith.constant 0 : index
    %swap3A_28 = vector.load %arg6[%swap3A, %swap3A_27] : memref<10000x64xf32, #tpu.memory_space<vmem>>, vector<10000x64xf32>
    tpu.vector_store %arg6[%swap3A, %swap3A_27], %add3A_26 {strides = array<i32>} : memref<10000x64xf32, #tpu.memory_space<vmem>>, vector<10000x64xf32>,
    %get3A_29 = arith.constant 0 : index
    %get3A_30 = arith.constant 0 : index
    %get3A_31 = vector.load %arg5[%get3A_29, %get3A_30] : memref<1x64xf32, #tpu.memory_space<vmem>>, vector<1x64xf32>
    %get3A_32 = arith.constant 0 : index
    %get3A_33 = arith.constant 0 : index
    %get3A_34 = vector.load %arg2[%get3A_32, %get3A_33] : memref<5000x3xf32, #tpu.memory_space<vmem>>, vector<5000x3xf32>
    %slice3A_35 = vector.extract_strided_slice %get3A_34 {offsets = [0, 0], sizes = [5000, 1], strides = [1, 1]} : vector<5000x3xf32> to vector<5000x1xf32>
    %slice3A_36 = vector.extract_strided_slice %get3A_1 {offsets = [0, 0], sizes = [1, 64], strides = [1, 1]} : vector<3x64xf32> to vector<1x64xf32>
    %mul3A_37 = vector.broadcast %slice3A_35 : vector<5000x1xf32> to vector<5000x64xf32>
    %mul3A_38 = vector.broadcast %slice3A_36 : vector<1x64xf32> to vector<5000x64xf32>
    %mul3A_39 = arith.mulf %mul3A_37, %mul3A_38 : vector<5000x64xf32>
    %slice3A_40 = vector.extract_strided_slice %get3A_34 {offsets = [0, 1], sizes = [5000, 1], strides = [1, 1]} : vector<5000x3xf32> to vector<5000x1xf32>
    %slice3A_41 = vector.extract_strided_slice %get3A_1 {offsets = [1, 0], sizes = [1, 64], strides = [1, 1]} : vector<3x64xf32> to vector<1x64xf32>
    %mul3A_42 = vector.broadcast %slice3A_40 : vector<5000x1xf32> to vector<5000x64xf32>
    %mul3A_43 = vector.broadcast %slice3A_41 : vector<1x64xf32> to vector<5000x64xf32>
    %mul3A_44 = arith.mulf %mul3A_42, %mul3A_43 : vector<5000x64xf32>
    %add3A_45 = arith.addf %mul3A_39, %mul3A_44 : vector<5000x64xf32>
    %slice3A_46 = vector.extract_strided_slice %get3A_34 {offsets = [0, 2], sizes = [5000, 1], strides = [1, 1]} : vector<5000x3xf32> to vector<5000x1xf32>
    %slice3A_47 = vector.extract_strided_slice %get3A_1 {offsets = [2, 0], sizes = [1, 64], strides = [1, 1]} : vector<3x64xf32> to vector<1x64xf32>
    %mul3A_48 = vector.broadcast %slice3A_46 : vector<5000x1xf32> to vector<5000x64xf32>
    %mul3A_49 = vector.broadcast %slice3A_47 : vector<1x64xf32> to vector<5000x64xf32>
    %mul3A_50 = arith.mulf %mul3A_48, %mul3A_49 : vector<5000x64xf32>
    %add3A_51 = arith.addf %add3A_45, %mul3A_50 : vector<5000x64xf32>
    %sub3A = vector.broadcast %get3A_31 : vector<1x64xf32> to vector<5000x64xf32>
    %sub3A_52 = arith.subf %sub3A, %add3A_51 : vector<5000x64xf32>
    %swap3A_53 = arith.constant 0 : index
    %swap3A_54 = arith.constant 0 : index
    %swap3A_55 = vector.load %arg7[%swap3A_53, %swap3A_54] : memref<5000x64xf32, #tpu.memory_space<vmem>>, vector<5000x64xf32>
    tpu.vector_store %arg7[%swap3A_53, %swap3A_54], %sub3A_52 {strides = array<i32>} : memref<5000x64xf32, #tpu.memory_space<vmem>>, vector<5000x64xf32>,
    return
  }
}

module attributes {stable_mosaic.version = 14 : i64} {
  func.func @_select_body(%arg0: i32, %arg1: memref<512x640xf32, #tpu.memory_space<vmem>>, %arg2: memref<512x640xi32, #tpu.memory_space<vmem>>, %arg3: memref<1x640xi32, #tpu.memory_space<vmem>>, %arg4: memref<64x640xi32, #tpu.memory_space<vmem>>, %arg5: memref<512x640xf32, #tpu.memory_space<vmem>>) attributes {dimension_semantics = [#tpu.dimension_semantics<arbitrary>], iteration_bounds = array<i64: 8>, scalar_prefetch = 0 : i64, scratch_operands = 1 : i64, tpu.core_type = #tpu.core_type<tc>, window_params = [{transform_indices = @transform_0, window_bounds = array<i64: 512, 640>}, {transform_indices = @transform_1, window_bounds = array<i64: 512, 640>}, {transform_indices = @transform_2, window_bounds = array<i64: 1, 640>}, {transform_indices = @transform_3, window_bounds = array<i64: 64, 640>}]} {
    %iota3A = tpu.iota {dimensions = array<i32: 0>} : vector<512x640xi32>
    %get3A = arith.constant 0 : index
    %get3A_0 = arith.constant 0 : index
    %get3A_1 = vector.load %arg3[%get3A, %get3A_0] : memref<1x640xi32, #tpu.memory_space<vmem>>, vector<1x640xi32>
    %lt3A = vector.broadcast %get3A_1 : vector<1x640xi32> to vector<512x640xi32>
    %lt3A_2 = arith.cmpi slt, %iota3A, %lt3A : vector<512x640xi32>
    %get3A_3 = arith.constant 0 : index
    %get3A_4 = arith.constant 0 : index
    %get3A_5 = vector.load %arg1[%get3A_3, %get3A_4] : memref<512x640xf32, #tpu.memory_space<vmem>>, vector<512x640xf32>
    %jit3A = arith.constant 0x7F800000 : f32
    %broadcast_in_dim3A = vector.broadcast %jit3A : f32 to vector<512x640xf32>
    %select_n3A = arith.select %lt3A_2, %get3A_5, %broadcast_in_dim3A : vector<512x640xi1>, vector<512x640xf32>
    %swap3A = arith.constant 0 : index
    %swap3A_6 = arith.constant 0 : index
    %swap3A_7 = vector.load %arg5[%swap3A, %swap3A_6] : memref<512x640xf32, #tpu.memory_space<vmem>>, vector<512x640xf32>
    tpu.vector_store %arg5[%swap3A, %swap3A_6], %select_n3A {strides = array<i32>} : memref<512x640xf32, #tpu.memory_space<vmem>>, vector<512x640xf32>,
    %scan3A = arith.constant 0x7F800000 : f32
    %scan3A_8 = arith.constant 0 : i32
    %scan3A_9 = arith.constant 64 : i32
    %scan3A_10 = arith.addi %scan3A_8, %scan3A_9 : i32
    %scan3A_11 = arith.constant 1 : i32
    scf.for %scan3A_32 = %scan3A_8 to %scan3A_10 step %scan3A_11  : i32 {
      %get3A_33 = arith.constant 0 : index
      %get3A_34 = arith.constant 0 : index
      %get3A_35 = vector.load %arg5[%get3A_33, %get3A_34] : memref<512x640xf32, #tpu.memory_space<vmem>>, vector<512x640xf32>
      %reduce_min3A = arith.constant dense<0x7F800000> : vector<640xf32>
      %reduce_min3A_36 = vector.multi_reduction <minimumf>, %get3A_35, %reduce_min3A [0] : vector<512x640xf32> to vector<640xf32>
      %broadcast_in_dim3A_37 = vector.shape_cast %reduce_min3A_36 : vector<640xf32> to vector<1x640xf32>
      %eq3A = vector.broadcast %broadcast_in_dim3A_37 : vector<1x640xf32> to vector<512x640xf32>
      %eq3A_38 = arith.cmpf oeq, %get3A_35, %eq3A : vector<512x640xf32>
      %jit3A_39 = arith.constant 1073741824 : i32
      %broadcast_in_dim3A_40 = vector.broadcast %jit3A_39 : i32 to vector<512x640xi32>
      %select_n3A_41 = arith.select %eq3A_38, %iota3A, %broadcast_in_dim3A_40 : vector<512x640xi1>, vector<512x640xi32>
      %reduce_min3A_42 = arith.constant dense<2147483647> : vector<640xi32>
      %reduce_min3A_43 = vector.multi_reduction <minsi>, %select_n3A_41, %reduce_min3A_42 [0] : vector<512x640xi32> to vector<640xi32>
      %broadcast_in_dim3A_44 = vector.shape_cast %reduce_min3A_43 : vector<640xi32> to vector<1x640xi32>
      %eq3A_45 = vector.broadcast %broadcast_in_dim3A_44 : vector<1x640xi32> to vector<512x640xi32>
      %eq3A_46 = arith.cmpi eq, %iota3A, %eq3A_45 : vector<512x640xi32>
      %get3A_47 = arith.constant 0 : index
      %get3A_48 = arith.constant 0 : index
      %get3A_49 = vector.load %arg2[%get3A_47, %get3A_48] : memref<512x640xi32, #tpu.memory_space<vmem>>, vector<512x640xi32>
      %jit3A_50 = arith.constant -1 : i32
      %broadcast_in_dim3A_51 = vector.broadcast %jit3A_50 : i32 to vector<512x640xi32>
      %select_n3A_52 = arith.select %eq3A_46, %get3A_49, %broadcast_in_dim3A_51 : vector<512x640xi1>, vector<512x640xi32>
      %reduce_max3A = arith.constant dense<-2147483648> : vector<640xi32>
      %reduce_max3A_53 = vector.multi_reduction <maxsi>, %select_n3A_52, %reduce_max3A [0] : vector<512x640xi32> to vector<640xi32>
      %broadcast_in_dim3A_54 = vector.shape_cast %reduce_max3A_53 : vector<640xi32> to vector<1x640xi32>
      %swap3A_55 = arith.index_cast %scan3A_32 : i32 to index
      %swap3A_56 = arith.constant 0 : index
      %swap3A_57 = vector.load %arg4[%swap3A_55, %swap3A_56] : memref<64x640xi32, #tpu.memory_space<vmem>>, vector<1x640xi32>
      tpu.vector_store %arg4[%swap3A_55, %swap3A_56], %broadcast_in_dim3A_54 {strides = array<i32>} : memref<64x640xi32, #tpu.memory_space<vmem>>, vector<1x640xi32>,
      %broadcast_in_dim3A_58 = vector.broadcast %scan3A : f32 to vector<512x640xf32>
      %select_n3A_59 = arith.select %eq3A_46, %broadcast_in_dim3A_58, %get3A_35 : vector<512x640xi1>, vector<512x640xf32>
      %swap3A_60 = arith.constant 0 : index
      %swap3A_61 = arith.constant 0 : index
      %swap3A_62 = vector.load %arg5[%swap3A_60, %swap3A_61] : memref<512x640xf32, #tpu.memory_space<vmem>>, vector<512x640xf32>
      tpu.vector_store %arg5[%swap3A_60, %swap3A_61], %select_n3A_59 {strides = array<i32>} : memref<512x640xf32, #tpu.memory_space<vmem>>, vector<512x640xf32>,
    }
    %scan3A_12 = arith.constant 64 : i32
    %iota3A_13 = tpu.iota {dimensions = array<i32: 0>} : vector<64x640xi32>
    %min3A = arith.constant 64 : i32
    %min3A_14 = vector.broadcast %min3A : i32 to vector<1x640xi32>
    %min3A_15 = arith.minsi %get3A_1, %min3A_14 : vector<1x640xi32>
    %lt3A_16 = vector.broadcast %min3A_15 : vector<1x640xi32> to vector<64x640xi32>
    %lt3A_17 = arith.cmpi slt, %iota3A_13, %lt3A_16 : vector<64x640xi32>
    %get3A_18 = arith.constant 0 : index
    %get3A_19 = arith.constant 0 : index
    %get3A_20 = vector.load %arg4[%get3A_18, %get3A_19] : memref<64x640xi32, #tpu.memory_space<vmem>>, vector<64x640xi32>
    %jit3A_21 = arith.constant 0 : i32
    %broadcast_in_dim3A_22 = vector.broadcast %jit3A_21 : i32 to vector<64x640xi32>
    %select_n3A_23 = arith.select %lt3A_17, %get3A_20, %broadcast_in_dim3A_22 : vector<64x640xi1>, vector<64x640xi32>
    %jit3A_24 = arith.constant 0 : i32
    %jit3A_25 = arith.constant 9999 : i32
    %max3A = vector.broadcast %jit3A_24 : i32 to vector<64x640xi32>
    %max3A_26 = arith.maxsi %max3A, %select_n3A_23 : vector<64x640xi32>
    %min3A_27 = vector.broadcast %jit3A_25 : i32 to vector<64x640xi32>
    %min3A_28 = arith.minsi %min3A_27, %max3A_26 : vector<64x640xi32>
    %swap3A_29 = arith.constant 0 : index
    %swap3A_30 = arith.constant 0 : index
    %swap3A_31 = vector.load %arg4[%swap3A_29, %swap3A_30] : memref<64x640xi32, #tpu.memory_space<vmem>>, vector<64x640xi32>
    tpu.vector_store %arg4[%swap3A_29, %swap3A_30], %min3A_28 {strides = array<i32>} : memref<64x640xi32, #tpu.memory_space<vmem>>, vector<64x640xi32>,
    return
  }
  func.func @transform_0(%arg0: i32) -> (i32, i32) {
    %c0_i32 = arith.constant 0 : i32
    %c0_i32_0 = arith.constant 0 : i32
    return %c0_i32, %arg0 : i32, i32
  }
  func.func @transform_1(%arg0: i32) -> (i32, i32) {
    %c0_i32 = arith.constant 0 : i32
    %c0_i32_0 = arith.constant 0 : i32
    return %c0_i32, %arg0 : i32, i32
  }
  func.func @transform_2(%arg0: i32) -> (i32, i32) {
    %c0_i32 = arith.constant 0 : i32
    %c0_i32_0 = arith.constant 0 : i32
    return %c0_i32, %arg0 : i32, i32
  }
  func.func @transform_3(%arg0: i32) -> (i32, i32) {
    %c0_i32 = arith.constant 0 : i32
    %c0_i32_0 = arith.constant 0 : i32
    return %c0_i32, %arg0 : i32, i32
  }
}

module attributes {stable_mosaic.version = 14 : i64} {
  func.func @_mlp_body(%arg0: i32, %arg1: memref<64x160x64xf32, #tpu.memory_space<vmem>>, %arg2: memref<160x64xf32, #tpu.memory_space<vmem>>, %arg3: memref<160x1xi32, #tpu.memory_space<vmem>>, %arg4: memref<64x64xf32, #tpu.memory_space<vmem>>, %arg5: memref<1x64xf32, #tpu.memory_space<vmem>>, %arg6: memref<64x128xf32, #tpu.memory_space<vmem>>, %arg7: memref<1x128xf32, #tpu.memory_space<vmem>>, %arg8: memref<160x128xf32, #tpu.memory_space<vmem>>) attributes {dimension_semantics = [#tpu.dimension_semantics<arbitrary>], iteration_bounds = array<i64: 32>, scalar_prefetch = 0 : i64, scratch_operands = 0 : i64, tpu.core_type = #tpu.core_type<tc>, window_params = [{transform_indices = @transform_0, window_bounds = array<i64: 64, 160, 64>}, {transform_indices = @transform_1, window_bounds = array<i64: 160, 64>}, {transform_indices = @transform_2, window_bounds = array<i64: 160, 1>}, {pipeline_mode = #tpu.pipeline_mode<synchronous>, transform_indices = @transform_3, window_bounds = array<i64: 64, 64>}, {pipeline_mode = #tpu.pipeline_mode<synchronous>, transform_indices = @transform_4, window_bounds = array<i64: 1, 64>}, {pipeline_mode = #tpu.pipeline_mode<synchronous>, transform_indices = @transform_5, window_bounds = array<i64: 64, 128>}, {pipeline_mode = #tpu.pipeline_mode<synchronous>, transform_indices = @transform_6, window_bounds = array<i64: 1, 128>}, {transform_indices = @transform_7, window_bounds = array<i64: 160, 128>}]} {
    %get3A = arith.constant 0 : index
    %get3A_0 = arith.constant 0 : index
    %get3A_1 = arith.constant 0 : index
    %get3A_2 = vector.load %arg1[%get3A, %get3A_0, %get3A_1] : memref<64x160x64xf32, #tpu.memory_space<vmem>>, vector<64x160x64xf32>
    %get3A_3 = arith.constant 0 : index
    %get3A_4 = arith.constant 0 : index
    %get3A_5 = vector.load %arg2[%get3A_3, %get3A_4] : memref<160x64xf32, #tpu.memory_space<vmem>>, vector<160x64xf32>
    %broadcast_in_dim3A = vector.shape_cast %get3A_5 : vector<160x64xf32> to vector<1x160x64xf32>
    %add3A = vector.broadcast %broadcast_in_dim3A : vector<1x160x64xf32> to vector<64x160x64xf32>
    %add3A_6 = arith.addf %get3A_2, %add3A : vector<64x160x64xf32>
    %max3A = arith.constant 0.000000e+00 : f32
    %max3A_7 = vector.broadcast %max3A : f32 to vector<64x160x64xf32>
    %max3A_8 = arith.maximumf %add3A_6, %max3A_7 : vector<64x160x64xf32>
    %reshape3A = vector.shape_cast %max3A_8 : vector<64x160x64xf32> to vector<10240x64xf32>
    %get3A_9 = arith.constant 0 : index
    %get3A_10 = arith.constant 0 : index
    %get3A_11 = vector.load %arg4[%get3A_9, %get3A_10] : memref<64x64xf32, #tpu.memory_space<vmem>>, vector<64x64xf32>
    %dot_general3A = arith.constant dense<0.000000e+00> : vector<10240x64xf32>
    %dot_general3A_12 = tpu.matmul %reshape3A, %get3A_11, %dot_general3A {dimension_numbers = #tpu.dot_dimension_numbers<[1], [0], [0], [1], [0, 0, 1, 1], [], []>, transpose_lhs_hint = false} : vector<10240x64xf32>, vector<64x64xf32>, vector<10240x64xf32> -> vector<10240x64xf32>
    %get3A_13 = arith.constant 0 : index
    %get3A_14 = arith.constant 0 : index
    %get3A_15 = vector.load %arg5[%get3A_13, %get3A_14] : memref<1x64xf32, #tpu.memory_space<vmem>>, vector<1x64xf32>
    %add3A_16 = vector.broadcast %get3A_15 : vector<1x64xf32> to vector<10240x64xf32>
    %add3A_17 = arith.addf %dot_general3A_12, %add3A_16 : vector<10240x64xf32>
    %max3A_18 = arith.constant 0.000000e+00 : f32
    %max3A_19 = vector.broadcast %max3A_18 : f32 to vector<10240x64xf32>
    %max3A_20 = arith.maximumf %add3A_17, %max3A_19 : vector<10240x64xf32>
    %get3A_21 = arith.constant 0 : index
    %get3A_22 = arith.constant 0 : index
    %get3A_23 = vector.load %arg6[%get3A_21, %get3A_22] : memref<64x128xf32, #tpu.memory_space<vmem>>, vector<64x128xf32>
    %dot_general3A_24 = arith.constant dense<0.000000e+00> : vector<10240x128xf32>
    %dot_general3A_25 = tpu.matmul %max3A_20, %get3A_23, %dot_general3A_24 {dimension_numbers = #tpu.dot_dimension_numbers<[1], [0], [0], [1], [0, 0, 1, 1], [], []>, transpose_lhs_hint = false} : vector<10240x64xf32>, vector<64x128xf32>, vector<10240x128xf32> -> vector<10240x128xf32>
    %get3A_26 = arith.constant 0 : index
    %get3A_27 = arith.constant 0 : index
    %get3A_28 = vector.load %arg7[%get3A_26, %get3A_27] : memref<1x128xf32, #tpu.memory_space<vmem>>, vector<1x128xf32>
    %add3A_29 = vector.broadcast %get3A_28 : vector<1x128xf32> to vector<10240x128xf32>
    %add3A_30 = arith.addf %dot_general3A_25, %add3A_29 : vector<10240x128xf32>
    %reshape3A_31 = vector.shape_cast %add3A_30 : vector<10240x128xf32> to vector<64x160x128xf32>
    %iota3A = tpu.iota {dimensions = array<i32: 0>} : vector<64x160x1xi32>
    %get3A_32 = arith.constant 0 : index
    %get3A_33 = arith.constant 0 : index
    %get3A_34 = vector.load %arg3[%get3A_32, %get3A_33] : memref<160x1xi32, #tpu.memory_space<vmem>>, vector<160x1xi32>
    %reshape3A_35 = vector.shape_cast %get3A_34 : vector<160x1xi32> to vector<1x160x1xi32>
    %min3A = arith.constant 64 : i32
    %min3A_36 = vector.broadcast %min3A : i32 to vector<1x160x1xi32>
    %min3A_37 = arith.minsi %reshape3A_35, %min3A_36 : vector<1x160x1xi32>
    %lt3A = vector.broadcast %min3A_37 : vector<1x160x1xi32> to vector<64x160x1xi32>
    %lt3A_38 = arith.cmpi slt, %iota3A, %lt3A : vector<64x160x1xi32>
    %jit3A = arith.constant 0xFF800000 : f32
    %broadcast_in_dim3A_39 = vector.shape_cast %lt3A_38 : vector<64x160x1xi1> to vector<64x160x1xi1>
    %broadcast_in_dim3A_40 = vector.broadcast %broadcast_in_dim3A_39 : vector<64x160x1xi1> to vector<64x160x128xi1>
    %broadcast_in_dim3A_41 = vector.broadcast %jit3A : f32 to vector<64x160x128xf32>
    %select_n3A = arith.select %broadcast_in_dim3A_40, %reshape3A_31, %broadcast_in_dim3A_41 : vector<64x160x128xi1>, vector<64x160x128xf32>
    %reduce_max3A = arith.constant dense<0xFF800000> : vector<160x128xf32>
    %reduce_max3A_42 = vector.multi_reduction <maximumf>, %select_n3A, %reduce_max3A [0] : vector<64x160x128xf32> to vector<160x128xf32>
    %swap3A = arith.constant 0 : index
    %swap3A_43 = arith.constant 0 : index
    %swap3A_44 = vector.load %arg8[%swap3A, %swap3A_43] : memref<160x128xf32, #tpu.memory_space<vmem>>, vector<160x128xf32>
    tpu.vector_store %arg8[%swap3A, %swap3A_43], %reduce_max3A_42 {strides = array<i32>} : memref<160x128xf32, #tpu.memory_space<vmem>>, vector<160x128xf32>,
    return
  }
  func.func @transform_0(%arg0: i32) -> (i32, i32, i32) {
    %c0_i32 = arith.constant 0 : i32
    %c0_i32_0 = arith.constant 0 : i32
    %c0_i32_1 = arith.constant 0 : i32
    return %c0_i32, %arg0, %c0_i32_0 : i32, i32, i32
  }
  func.func @transform_1(%arg0: i32) -> (i32, i32) {
    %c0_i32 = arith.constant 0 : i32
    %c0_i32_0 = arith.constant 0 : i32
    return %arg0, %c0_i32 : i32, i32
  }
  func.func @transform_2(%arg0: i32) -> (i32, i32) {
    %c0_i32 = arith.constant 0 : i32
    %c0_i32_0 = arith.constant 0 : i32
    return %arg0, %c0_i32 : i32, i32
  }
  func.func @transform_3(%arg0: i32) -> (i32, i32) {
    %c0_i32 = arith.constant 0 : i32
    %c0_i32_0 = arith.constant 0 : i32
    %c0_i32_1 = arith.constant 0 : i32
    return %c0_i32, %c0_i32_0 : i32, i32
  }
  func.func @transform_4(%arg0: i32) -> (i32, i32) {
    %c0_i32 = arith.constant 0 : i32
    %c0_i32_0 = arith.constant 0 : i32
    %c0_i32_1 = arith.constant 0 : i32
    return %c0_i32, %c0_i32_0 : i32, i32
  }
  func.func @transform_5(%arg0: i32) -> (i32, i32) {
    %c0_i32 = arith.constant 0 : i32
    %c0_i32_0 = arith.constant 0 : i32
    %c0_i32_1 = arith.constant 0 : i32
    return %c0_i32, %c0_i32_0 : i32, i32
  }
  func.func @transform_6(%arg0: i32) -> (i32, i32) {
    %c0_i32 = arith.constant 0 : i32
    %c0_i32_0 = arith.constant 0 : i32
    %c0_i32_1 = arith.constant 0 : i32
    return %c0_i32, %c0_i32_0 : i32, i32
  }
  func.func @transform_7(%arg0: i32) -> (i32, i32) {
    %c0_i32 = arith.constant 0 : i32
    %c0_i32_0 = arith.constant 0 : i32
    return %arg0, %c0_i32 : i32, i32
  }
}

</mosaic_0001>

<sc_bundles>
// kernel: kernel.12.cloned.1.call-start
scs
__scs_entry_jumppad:
0x0: {  	(pc) =	sbr.rel $0x88, $3  }
0x1: {  	(tag) =	ssettag $0x0;
	lr =	simm.s32 $0x1  }
0x2: {  	[smem:$0x3F98] =	sst lr;
	_ =	strace $0xD0000000  }
0x3: {  	_ = 	snop  }
0x4: {  	_ = 	snop  }
0x5: {  	_ = 	snop  }
0x6: {  	_ = 	snop  }
0x7: {  	_ = 	snop  }
__scs_overlays_trampoline_lowered:
0x8: {  	[smem:$0x3FA7] =	sst s0  }
0x9: {  	[smem:$0x3FA8] =	sst s1  }
0xa: {  	[smem:$0x3FA9] =	sst s2  }
0xb: {  	[smem:$0x3FAA] =	sst s3  }
0xc: {  	[smem:$0x3FAB] =	sst s4  }
0xd: {  	[smem:$0x3FAC] =	sst s5  }
0xe: {  	[smem:$0x3FAD] =	sst s6  }
0xf: {  	[smem:$0x3FAE] =	sst s7  }
0x10: {  	[smem:$0x3FAF] =	sst s8  }
0x11: {  	[smem:$0x3FB0] =	sst s9;
	s0 =	simm.s32 @!p0 $0x0  }
0x12: {  	s1 =	sld [smem:$0x3F96];
	s0 =	simm.s32 @p0 $0x1  }
0x13: {  	[smem:$0x3FB1] =	sst s0;
	s0 =	simm.s32 @!p1 $0x0  }
0x14: {  	s2 =	sld [smem:$0x3F95];
	s0 =	simm.s32 @p1 $0x1  }
0x15: {  	[smem:$0x3FB2] =	sst s0;
	s0 =	simm.s32 @!p2 $0x0  }
0x16: {  	s3 =	sld [smem:$0x3FDB];
	s0 =	simm.s32 @p2 $0x1  }
0x17: {  	s4 =	simm.s32 $0x1BF5;
	[smem:$0x3FB4] =	sst s0  }
0x18: {  	s0 =	sld [smem:$0x3F97];
	_ =	swait.ge [sflag:s4], $0x0  }
0x19: {  	s7 =	sld [smem:$0x3F98]  }
0x1a: {  	s8 =	sadd.s32 $0xFFFFE003, lr  }
0x1b: {  	s9 =	sadd.s32 $0xFFFFFEF7, lr;
	s5 =	simm.s32 $0xFFFFFFFF;
	p2 =	slt.u32 s8, $0xFFFFF086  }
0x1c: {  	p1 =	slt.u32 s9, $0xF7A;
	s5 =	simm.s32 @!p2 $0x0  }
0x1d: {  	s5 =	simm.s32 @p1 $0x1;
	p0 =	seq.s32 s7, s2  }
0x1e: {  	s7 =	smul.u32 @!p0 $0xF7A, s2;
	p2 =	seq.s32 @!p0 s5, $0x0  }
0x1f: {  	s9 =	smul.u32 $0xF7A, s1;
	s8 =	simm.s32 @!p0 $0x1BF5;
	p2 =	por !p2, p0  }
0x20: {  	[sflag:s8] =	ssyncset.s32 @!p0 $0xFFFFF086;
	s6 =	sadd.s32 @!p0 s3, s7;
	s7 =	simm.s32 @!p0 $0x108  }
0x21: {  	s3 =	sadd.s32 s3, s9;
	s6 =	sadd.s32 @!p0 $0x88, s6;
	s7 =	simm.s32 @p2 $0x1082  }
0x22: {  	[simem:s7], [sflag:s8] =	dma.local @!p0 [hbm:s6], $0xF7A  }
0x23: {  	s9 =	sor.u32 $0xD0000000, s2;
	s6 =	simm.s32 $0x108;
	_ =	swait.ge @!p0 [sflag:s8], $0x0  }
0x24: {  	s3 =	sadd.s32 $0x88, s3;
	s6 =	simm.s32 @!p1 $0x1082;
	[sflag:s4] =	ssyncset.s32 $0xFFFFF086  }
0x25: {  	[simem:s6], [sflag:s4] =	dma.local [hbm:s3], $0xF7A  }
0x26: {  	[smem:$0x3F98] =	sst s1;
	(tag) =	ssettag s2;
	_ =	strace s9  }
0x27: {  	s1 =	sld [smem:$0x3FA8]  }
0x28: {  	s2 =	sld [smem:$0x3FA9]  }
0x29: {  	s4 =	sld [smem:$0x3FAB]  }
0x2a: {  	p0 =	seq.s32 s5, $0x0;
	s5 =	sld [smem:$0x3FAC]  }
0x2b: {  	s6 =	sld [smem:$0x3FAD]  }
0x2c: {  	s7 =	sld [smem:$0x3FAE]  }
0x2d: {  	s3 =	simm.s32 $0x108;
	s8 =	sld [smem:$0x3FAF]  }
0x2e: {  	s3 =	simm.s32 @!p0 $0x1082;
	s9 =	sld [smem:$0x3FB0]  }
0x2f: {  	lr =	sadd.s32 s0, s3;
	s0 =	sld [smem:$0x3FA7]  }
0x30: {  	s3 =	sld [smem:$0x3FAA]  }
0x31: {  	[smem:$0x3FB3] =	sst s10  }
0x32: {  	s10 =	sld [smem:$0x3FB1];
	_ =	sdelay $0x3  }
0x33: {  	p0 =	seq.s32 s10, $0x1;
	s10 =	sld [smem:$0x3FB3];
	_ =	sdelay $0x3  }
0x34: {  	[smem:$0x3FB3] =	sst s10  }
0x35: {  	s10 =	sld [smem:$0x3FB2];
	_ =	sdelay $0x3  }
0x36: {  	p1 =	seq.s32 s10, $0x1;
	s10 =	sld [smem:$0x3FB3];
	_ =	sdelay $0x3  }
0x37: {  	[smem:$0x3FB3] =	sst s10  }
0x38: {  	s10 =	sld [smem:$0x3FB4]  }
0x39: {  	_ = 	snop;
	(pc) =	sbr.ind lr, $3  }
0x3a: {  	_ = 	snop  }
0x3b: {  	_ = 	snop  }
0x3c: {  	p2 =	seq.s32 s10, $0x1;
	s10 =	sld [smem:$0x3FB3]  }
0x3d: {  	_ =	shalt  }
0x3e: {  	_ =	shalt  }
0x3f: {  	_ =	shalt  }
0x40: {  	_ =	shalt  }
0x41: {  	_ =	shalt  }
0x42: {  	_ =	shalt  }
0x43: {  	_ =	shalt  }
0x44: {  	_ =	shalt  }
0x45: {  	_ =	shalt  }
0x46: {  	_ =	shalt  }
0x47: {  	_ =	shalt  }
0x48: {  	_ =	shalt  }
0x49: {  	_ =	shalt  }
0x4a: {  	_ =	shalt  }
0x4b: {  	_ =	shalt  }
0x4c: {  	_ =	shalt  }
0x4d: {  	_ =	shalt  }
0x4e: {  	_ =	shalt  }
0x4f: {  	_ =	shalt  }
0x50: {  	_ =	shalt  }
0x51: {  	_ =	shalt  }
0x52: {  	_ =	shalt  }
0x53: {  	_ =	shalt  }
0x54: {  	_ =	shalt  }
0x55: {  	_ =	shalt  }
0x56: {  	_ =	shalt  }
0x57: {  	_ =	shalt  }
0x58: {  	_ =	shalt  }
0x59: {  	_ =	shalt  }
0x5a: {  	_ =	shalt  }
0x5b: {  	_ =	shalt  }
0x5c: {  	_ =	shalt  }
0x5d: {  	_ =	shalt  }
0x5e: {  	_ =	shalt  }
0x5f: {  	_ =	shalt  }
0x60: {  	_ =	shalt  }
0x61: {  	_ =	shalt  }
0x62: {  	_ =	shalt  }
0x63: {  	_ =	shalt  }
0x64: {  	_ =	shalt  }
0x65: {  	_ =	shalt  }
0x66: {  	_ =	shalt  }
0x67: {  	_ =	shalt  }
0x68: {  	_ =	shalt  }
0x69: {  	_ =	shalt  }
0x6a: {  	_ =	shalt  }
0x6b: {  	_ =	shalt  }
0x6c: {  	_ =	shalt  }
0x6d: {  	_ =	shalt  }
0x6e: {  	_ =	shalt  }
0x6f: {  	_ =	shalt  }
0x70: {  	_ =	shalt  }
0x71: {  	_ =	shalt  }
0x72: {  	_ =	shalt  }
0x73: {  	_ =	shalt  }
0x74: {  	_ =	shalt  }
0x75: {  	_ =	shalt  }
0x76: {  	_ =	shalt  }
0x77: {  	_ =	shalt  }
0x78: {  	_ =	shalt  }
0x79: {  	_ =	shalt  }
0x7a: {  	_ =	shalt  }
0x7b: {  	_ =	shalt  }
0x7c: {  	_ =	shalt  }
0x7d: {  	_ =	shalt  }
0x7e: {  	_ =	shalt  }
0x7f: {  	_ =	shalt  }
0x80: {  	_ =	shalt  }
0x81: {  	_ =	shalt  }
0x82: {  	_ =	shalt  }
0x83: {  	_ =	shalt  }
0x84: {  	_ =	shalt  }
0x85: {  	_ =	shalt  }
0x86: {  	_ =	shalt  }
0x87: {  	_ =	shalt  }
.Lfunc_end0:
.L_simem_size_0:
called_computation.1_lowered:
.L_overlay_start_0:
0x88: {  	s2 =	sld [smem:$0x3FD9]  }
0x89: {  	s3 =	sld [smem:$0x3FFE];
	_ =	sdelay $0x1  }
0x8a: {  	s1 =	srdreg.scid  }
0x8b: {  	s0 =	sand.u32 $0x1, s1  }
0x8c: {  	s14 =	sshll.u32 s0, $0xA;
	s2 =	sadd.s32 s3, s2  }
0x8d: {  	s2 =	sadd.s32 s2, s14  }
0x8e: {  	[smem:$0x3FBF] =	sst s2  }
0x8f: {  	_ = 	snop  }
0x90: {  	s2 =	sld [smem:$0x3FD0];
	_ =	sdelay $0x2  }
0x91: {  	s15 =	simm.s32 $0xA;
	s4 =	simm.s32 $0x10  }
0x92: {  	[smem:s4], [sflag:s15] =	dma.local [hbm:s2], $0x1  }
0x93: {  	_ =	swait.eq [sflag:s15], $0x1  }
0x94: {  	[sflag:s15] =	ssyncset.done $0x0  }
0x95: {  	[sflag:s15] =	ssyncadd.s32 $0xFFFFFFFF  }
0x96: {  	s16 =	sld [smem:$0x10];
	(tm) =	ssettm $0x1  }
0x97: {  	s17 =	sld [smem:$0x3FFB];
	_ =	sdelay $0x3  }
0x98: {  	_ =	strace s17  }
0x99: {  	s3 =	sld [smem:$0x3FFC];
	_ =	sdelay $0x3  }
0x9a: {  	_ =	strace s3  }
0x9b: {  	s3 =	sld [smem:$0x3FFD];
	_ =	sdelay $0x3  }
0x9c: {  	_ =	strace s3  }
0x9d: {  	_ =	strace $0x8FFFFFFF  }
0x9e: {  	s18 =	sld [smem:$0x3FDB];
	_ =	sdelay $0x1  }
0x9f: {  	s19 =	simm.s32 $_scs_section_size  }
0xa0: {  	s5 =	simm.s32 $_size__tile_overlayer_lowered;
	s6 =	simm.s32 $_tile_overlayer_lowered  }
0xa1: {  	s22 =	simm.s32 $0x1BFF;
	s21 =	sshll.u32 s6, $0x1;
	s3 =	sadd.s32 s19, s18  }
0xa2: {  	s7 =	simm.s32 $0x0;
	s20 =	sshll.u32 s5, $0x1;
	s5 =	sadd.s32 s21, s3  }
0xa3: {  	[timem:s7], [sflag:s22] =	dma.local [hbm:s5], s20  }
0xa4: {  	_ =	swait.ge [sflag:s22], s20  }
0xa5: {  	s4 =	ssub.s32 $0x0, s20;
	[sflag:s22] =	ssyncset.done $0x0  }
0xa6: {  	[sflag:s22] =	ssyncadd.s32 s4;
	_ =	sdelay $0x1  }
0xa7: {  	s23 =	simm.s32 $0x1B8B  }
0xa8: {  	_ =	swait.ge [sflag:s23], $0x1  }
0xa9: {  	[sflag:s23] =	ssyncset.done $0x0  }
0xaa: {  	s25 =	simm.s32 $0x1B8E;
	s24 =	sld [smem:$0x3FFE];
	[sflag:s23] =	ssyncadd.s32 $0xFFFFFFFF  }
0xab: {  	s26 =	simm.s32 $execute0_lowered;
	[smem:$0x3FD2] =	sst s25  }
0xac: {  	s5 =	sshll.u32 s26, $0x1;
	_ =	strace $0x80000049;
	[dreg:$0x1] =	wrdreg $0xFFFFFFFF  }
0xad: {  	s28 =	simm.s32 $_size_execute0_lowered;
	s3 =	sadd.s32 s3, s5;
	[dreg:$0x0] =	wrdreg $0x0  }
0xae: {  	s5 =	sshll.u32 s28, $0x1;
	[dreg:$0x2] =	wrdreg s3  }
0xaf: {  	[dreg:$0x3] =	wrdreg s5  }
0xb0: {  	[dreg:$0x4] =	wrdreg $0xC0  }
0xb1: {  	_ =	task [dreg:s7], $0x5FFFF  }
0xb2: {  	[dreg:$0x1] =	wrdreg $0xFFFFFFFF  }
0xb3: {  	[dreg:$0x0] =	wrdreg $0x60  }
0xb4: {  	[dreg:$0x2] =	wrdreg s16  }
0xb5: {  	[dreg:$0x3] =	wrdreg s24  }
0xb6: {  	[dreg:$0x4] =	wrdreg $0x9  }
0xb7: {  	_ =	task.clear_ibuf [dreg:s7], $0x5FFFF;
	_ =	strace $0x90000049  }
0xb8: {  	s29 =	simm.s32 $0x9;
	_ =	strace $0x8000004B  }
0xb9: {  	_ =	swait.ge [sflag:s29], $0x1  }
0xba: {  	[sflag:s29] =	ssyncadd.s32 $0xFFFFFFFF  }
0xbb: {  	_ =	strace $0x9000004B  }
0xbc: {  	_ =	sfence  }
0xbd: {  	s30 =	sld [smem:$0x0];
	_ =	sdelay $0x2  }
0xbe: {  	s31 =	sshll.u32 s1, $0xD;
	s1 =	sshrl.u32 s1, $0x2  }
0xbf: {  	s3 =	sand.u32 $0x4000, s31;
	s1 =	sadd.s32 s1, s30  }
0xc0: {  	s0 =	sor.u32 s3, s0;
	s1 =	sshll.u32 s1, $0x11  }
0xc1: {  	s0 =	sor.u32 s1, s0  }
0xc2: {  	s0 =	sadd.s32 $0x8F2B, s0  }
0xc3: {  	[sflag:s0] =	ssyncadd.remote.s32 $0x1  }
0xc4: {  	_ =	sfence.sel $0xFFFF  }
0xc5: {  	[dreg:$0x0] =	wrdreg $0xFFFFFFFF;
	(pc) =	sbr.abs _section_cstart, $3  }
0xc6: {  	[dreg:$0x1] =	wrdreg $0xFFFFFFFF  }
0xc7: {  	_ =	task.clear_ibuf [dreg:s7], $0x2FFFF;
	_ =	strace $0x9FFFFFFF  }
0xc8: {  	(tm) =	ssettm $0x7FFFFFFF  }
0xc9: {  	_ =	shalt  }
tec
execute0_lowered:
.L_overlay_start_1:
0x0: {  	(tag) =	ssettag $0x1  }
0x1: {  	s2 =	rddreg [dreg:$0x0]  }
0x2: {  	s4 =	rddreg [dreg:$0x1]  }
0x3: {  	s0 =	rddreg [dreg:$0x2];
	s1 =	stileid.u32  }
0x4: {  	s5 =	srdreg.scid;
	s3 =	simm.s32 $0x0;
	s6 =	smul.u32 $0x5000, s1  }
0x5: {  	s10 =	simm.s32 $0x0;
	s5 =	sand.u32 $0x1, s5;
	s8 =	smul.u32 $0x28000, s1  }
0x6: {  	[smem:$0x7FF] =	sst s3;
	s7 =	smul.u32 $0x2800, s5;
	s9 =	ssub.s32 $0x2, s5  }
0x7: {  	_ =	strace $0x8000004A;
	s5 =	smul.u32 $0x14000, s5;
	s31 =	sshrl.u32 s9, $0x1  }
0x8: {  	s8 =	sadd.s32 s8, s4;
	s6 =	sadd.s32 s7, s6;
	s7 =	ssub.s32 s9, s31  }
0x9: {  	s5 =	sadd.s32 s5, s8;
	s8 =	simm.s32 $0x200;
	s6 =	sshrl.u32 s6, $0x3  }
0xa: {  	s9 =	simm.s32 $0x1;
	s5 =	sadd.s32 $0x34600, s5;
	s6 =	sadd.s32 s6, s4  }
0xb: {  	s4 =	smax.u32 s7, $0x1;
	s7 =	simm.s32 $0x2;
	s6 =	sadd.s32 $0x2A600, s6  }
.LBB2_1:
0xc: {  	s11 =	sadd.s32 $0x0, s6  }
0xd: {  	[tilespmem:s3], [sflag:$0x2] =	stream.linear.gather [hbm4b:s11+s3], $0x200, $0x38;
	[tilespmem:$0x8200] =	vst v63  }
0xe: {  	_ =	swait.ge [sflag:s7], $0x200  }
0xf: {  	[sflag:s7] =	ssyncset.done $0x0  }
0x10: {  	[sflag:s7] =	ssyncadd.s32 $0xFFFFFE00  }
0x11: {  	[tilespmem:s8], [sflag:$0x1] =	stream.indirect.gather [hbm4b:s2+s8], $0x40, s3, s8, $0xb8;
	[tilespmem:$0x8200] =	vst v63  }
0x12: {  	_ =	swait.ge [sflag:s9], $0x8000  }
0x13: {  	[sflag:s9] =	ssyncset.done $0x0  }
0x14: {  	[sflag:s9] =	ssyncadd.s32 $0xFFFF8000  }
0x15: {  	[hbm4b:s5+s3] =	stream.linear.scatter [tilespmem:s8], [sflag:$0x2], $0x8000, $0x38;
	[tilespmem:$0x8200] =	vst v63  }
0x16: {  	s12 =	simm.s32 $0x40;
	_ =	swait.ge [sflag:s7], $0x8000  }
0x17: {  	s13 =	simm.s32 $0x80;
	s11 =	sadd.s32 $0x1000, s5;
	[sflag:s7] =	ssyncset.done $0x0  }
.LBB2_2:
0x18: {  	s14 =	sadd.s32 s12, s6  }
0x19: {  	[sflag:s7] =	ssyncadd.s32 $0xFFFF8000;
	s12 =	smov.u32 s13;
	s15 =	sadd.s32 $0x40, s13  }
0x1a: {  	[tilespmem:s3], [sflag:$0x2] =	stream.linear.gather [hbm4b:s14+s3], $0x200, $0x38;
	[tilespmem:$0x8200] =	vst v63  }
0x1b: {  	p0 =	sne.s32 s13, $0x4C0;
	_ =	swait.ge [sflag:s7], $0x200  }
0x1c: {  	[sflag:s7] =	ssyncset.done $0x0  }
0x1d: {  	[sflag:s7] =	ssyncadd.s32 $0xFFFFFE00  }
0x1e: {  	[tilespmem:s8], [sflag:$0x1] =	stream.indirect.gather [hbm4b:s2+s8], $0x40, s3, s8, $0xb8;
	[tilespmem:$0x8200] =	vst v63  }
0x1f: {  	_ =	swait.ge [sflag:s9], $0x8000  }
.Ltmp0:
0x20: {  	[sflag:s9] =	ssyncset.done $0x0;
	(pc) =	sbr.rel @p0 .LBB2_2-.Ltmp0, $4  }
0x21: {  	[sflag:s9] =	ssyncadd.s32 $0xFFFF8000  }
0x22: {  	[hbm4b:s11+s3] =	stream.linear.scatter [tilespmem:s8], [sflag:$0x2], $0x8000, $0x38;
	[tilespmem:$0x8200] =	vst v63  }
0x23: {  	_ =	swait.ge [sflag:s7], $0x8000  }
0x24: {  	s13 =	smov.u32 s15;
	s11 =	sadd.s32 $0x1000, s11;
	[sflag:s7] =	ssyncset.done $0x0  }
0x25: {  	s12 =	sadd.s32 s12, s6;
	[sflag:s7] =	ssyncadd.s32 $0xFFFF8000  }
0x26: {  	[tilespmem:s3], [sflag:$0x2] =	stream.linear.gather [hbm4b:s12+s3], $0x200, $0x38;
	[tilespmem:$0x8200] =	vst v63  }
0x27: {  	_ =	swait.ge [sflag:s7], $0x200  }
0x28: {  	[sflag:s7] =	ssyncset.done $0x0  }
0x29: {  	[sflag:s7] =	ssyncadd.s32 $0xFFFFFE00  }
0x2a: {  	[tilespmem:s8], [sflag:$0x1] =	stream.indirect.gather [hbm4b:s2+s8], $0x40, s3, s8, $0xb8;
	[tilespmem:$0x8200] =	vst v63  }
0x2b: {  	s10 =	sadd.s32 $0x1, s10;
	_ =	swait.ge [sflag:s9], $0x8000  }
0x2c: {  	p0 =	sne.s32 s10, s4;
	[sflag:s9] =	ssyncset.done $0x0  }
.Ltmp1:
0x2d: {  	[sflag:s9] =	ssyncadd.s32 $0xFFFF8000;
	(pc) =	sbr.rel @p0 .LBB2_1-.Ltmp1, $4  }
0x2e: {  	[hbm4b:s11+s3] =	stream.linear.scatter [tilespmem:s8], [sflag:$0x2], $0x8000, $0x38;
	[tilespmem:$0x8200] =	vst v63  }
0x2f: {  	_ =	swait.ge [sflag:s7], $0x8000  }
0x30: {  	[sflag:s7] =	ssyncset.done $0x0  }
0x31: {  	[sflag:s7] =	ssyncadd.s32 $0xFFFF8000  }
0x32: {  	_ =	sfence.sel $0x180000  }
0x33: {  	[bflag:$0x0] =	sbarrier.arrive $0xFFFF  }
0x34: {  	p0 =	sne.s32 s1, $0x0;
	_ =	strace $0x9000004A  }
0x35: {  	s0 =	sadd.s32 @!p0 $0x100000, s0;
	[bflag:$0x2] =	sbarrier.arrive $0xFFFF  }
0x36: {  	[sflag:s0] =	ssyncadd.tile.s32 @!p0 $0x1;
	_ =	shalt  }
.Lfunc_end2:
_tile_overlayer_lowered:
.L_overlay_start_2:
0x37: {  	(tag) =	ssettag $0x2  }
0x38: {  	s0 =	rddreg [dreg:$0x0];
	s2 =	stileid.u32  }
0x39: {  	s1 =	rddreg [dreg:$0x1];
	p0 =	sne.s32 s2, $0x0  }
0x3a: {  	s3 =	rddreg [dreg:$0x2];
	[bflag:$0x3] =	sbarrier.arrive $0xFFFF;
	s2 =	simm.s32 @!p0 $0x1C02  }
0x3b: {  	[timem:s3], [sflag:s2] =	dma.local @!p0 [hbm:s0], s1  }
0x3c: {  	s0 =	simm.s32 @!p0 $0x2  }
0x3d: {  	_ =	swait.ge @!p0 [sflag:s0], s1  }
0x3e: {  	s1 =	ssub.s32 @!p0 $0x0, s1;
	[sflag:s0] =	ssyncset.done @!p0 $0x0  }
0x3f: {  	[sflag:s0] =	ssyncadd.s32 @!p0 s1  }
0x40: {  	[bflag:$0x3] =	sbarrier.arrive $0xFFFF  }
0x41: {  	_ =	shalt  }

// kernel: kernel.9.cloned.1.call-start
scs
__scs_entry_jumppad:
0x0: {  	(pc) =	sbr.rel $0x88, $3  }
0x1: {  	(tag) =	ssettag $0x0;
	lr =	simm.s32 $0x1  }
0x2: {  	[smem:$0x3F98] =	sst lr;
	_ =	strace $0xD0000000  }
0x3: {  	_ = 	snop  }
0x4: {  	_ = 	snop  }
0x5: {  	_ = 	snop  }
0x6: {  	_ = 	snop  }
0x7: {  	_ = 	snop  }
__scs_overlays_trampoline_lowered:
0x8: {  	[smem:$0x3FA7] =	sst s0  }
0x9: {  	[smem:$0x3FA8] =	sst s1  }
0xa: {  	[smem:$0x3FA9] =	sst s2  }
0xb: {  	[smem:$0x3FAA] =	sst s3  }
0xc: {  	[smem:$0x3FAB] =	sst s4  }
0xd: {  	[smem:$0x3FAC] =	sst s5  }
0xe: {  	[smem:$0x3FAD] =	sst s6  }
0xf: {  	[smem:$0x3FAE] =	sst s7  }
0x10: {  	[smem:$0x3FAF] =	sst s8  }
0x11: {  	[smem:$0x3FB0] =	sst s9;
	s0 =	simm.s32 @!p0 $0x0  }
0x12: {  	s1 =	sld [smem:$0x3F96];
	s0 =	simm.s32 @p0 $0x1  }
0x13: {  	[smem:$0x3FB1] =	sst s0;
	s0 =	simm.s32 @!p1 $0x0  }
0x14: {  	s2 =	sld [smem:$0x3F95];
	s0 =	simm.s32 @p1 $0x1  }
0x15: {  	[smem:$0x3FB2] =	sst s0;
	s0 =	simm.s32 @!p2 $0x0  }
0x16: {  	s3 =	sld [smem:$0x3FDB];
	s0 =	simm.s32 @p2 $0x1  }
0x17: {  	s4 =	simm.s32 $0x1BF5;
	[smem:$0x3FB4] =	sst s0  }
0x18: {  	s0 =	sld [smem:$0x3F97];
	_ =	swait.ge [sflag:s4], $0x0  }
0x19: {  	s7 =	sld [smem:$0x3F98]  }
0x1a: {  	s8 =	sadd.s32 $0xFFFFE003, lr  }
0x1b: {  	s9 =	sadd.s32 $0xFFFFFEF7, lr;
	s5 =	simm.s32 $0xFFFFFFFF;
	p2 =	slt.u32 s8, $0xFFFFF086  }
0x1c: {  	p1 =	slt.u32 s9, $0xF7A;
	s5 =	simm.s32 @!p2 $0x0  }
0x1d: {  	s5 =	simm.s32 @p1 $0x1;
	p0 =	seq.s32 s7, s2  }
0x1e: {  	s7 =	smul.u32 @!p0 $0xF7A, s2;
	p2 =	seq.s32 @!p0 s5, $0x0  }
0x1f: {  	s9 =	smul.u32 $0xF7A, s1;
	s8 =	simm.s32 @!p0 $0x1BF5;
	p2 =	por !p2, p0  }
0x20: {  	[sflag:s8] =	ssyncset.s32 @!p0 $0xFFFFF086;
	s6 =	sadd.s32 @!p0 s3, s7;
	s7 =	simm.s32 @!p0 $0x108  }
0x21: {  	s3 =	sadd.s32 s3, s9;
	s6 =	sadd.s32 @!p0 $0x88, s6;
	s7 =	simm.s32 @p2 $0x1082  }
0x22: {  	[simem:s7], [sflag:s8] =	dma.local @!p0 [hbm:s6], $0xF7A  }
0x23: {  	s9 =	sor.u32 $0xD0000000, s2;
	s6 =	simm.s32 $0x108;
	_ =	swait.ge @!p0 [sflag:s8], $0x0  }
0x24: {  	s3 =	sadd.s32 $0x88, s3;
	s6 =	simm.s32 @!p1 $0x1082;
	[sflag:s4] =	ssyncset.s32 $0xFFFFF086  }
0x25: {  	[simem:s6], [sflag:s4] =	dma.local [hbm:s3], $0xF7A  }
0x26: {  	[smem:$0x3F98] =	sst s1;
	(tag) =	ssettag s2;
	_ =	strace s9  }
0x27: {  	s1 =	sld [smem:$0x3FA8]  }
0x28: {  	s2 =	sld [smem:$0x3FA9]  }
0x29: {  	s4 =	sld [smem:$0x3FAB]  }
0x2a: {  	p0 =	seq.s32 s5, $0x0;
	s5 =	sld [smem:$0x3FAC]  }
0x2b: {  	s6 =	sld [smem:$0x3FAD]  }
0x2c: {  	s7 =	sld [smem:$0x3FAE]  }
0x2d: {  	s3 =	simm.s32 $0x108;
	s8 =	sld [smem:$0x3FAF]  }
0x2e: {  	s3 =	simm.s32 @!p0 $0x1082;
	s9 =	sld [smem:$0x3FB0]  }
0x2f: {  	lr =	sadd.s32 s0, s3;
	s0 =	sld [smem:$0x3FA7]  }
0x30: {  	s3 =	sld [smem:$0x3FAA]  }
0x31: {  	[smem:$0x3FB3] =	sst s10  }
0x32: {  	s10 =	sld [smem:$0x3FB1];
	_ =	sdelay $0x3  }
0x33: {  	p0 =	seq.s32 s10, $0x1;
	s10 =	sld [smem:$0x3FB3];
	_ =	sdelay $0x3  }
0x34: {  	[smem:$0x3FB3] =	sst s10  }
0x35: {  	s10 =	sld [smem:$0x3FB2];
	_ =	sdelay $0x3  }
0x36: {  	p1 =	seq.s32 s10, $0x1;
	s10 =	sld [smem:$0x3FB3];
	_ =	sdelay $0x3  }
0x37: {  	[smem:$0x3FB3] =	sst s10  }
0x38: {  	s10 =	sld [smem:$0x3FB4]  }
0x39: {  	_ = 	snop;
	(pc) =	sbr.ind lr, $3  }
0x3a: {  	_ = 	snop  }
0x3b: {  	_ = 	snop  }
0x3c: {  	p2 =	seq.s32 s10, $0x1;
	s10 =	sld [smem:$0x3FB3]  }
0x3d: {  	_ =	shalt  }
0x3e: {  	_ =	shalt  }
0x3f: {  	_ =	shalt  }
0x40: {  	_ =	shalt  }
0x41: {  	_ =	shalt  }
0x42: {  	_ =	shalt  }
0x43: {  	_ =	shalt  }
0x44: {  	_ =	shalt  }
0x45: {  	_ =	shalt  }
0x46: {  	_ =	shalt  }
0x47: {  	_ =	shalt  }
0x48: {  	_ =	shalt  }
0x49: {  	_ =	shalt  }
0x4a: {  	_ =	shalt  }
0x4b: {  	_ =	shalt  }
0x4c: {  	_ =	shalt  }
0x4d: {  	_ =	shalt  }
0x4e: {  	_ =	shalt  }
0x4f: {  	_ =	shalt  }
0x50: {  	_ =	shalt  }
0x51: {  	_ =	shalt  }
0x52: {  	_ =	shalt  }
0x53: {  	_ =	shalt  }
0x54: {  	_ =	shalt  }
0x55: {  	_ =	shalt  }
0x56: {  	_ =	shalt  }
0x57: {  	_ =	shalt  }
0x58: {  	_ =	shalt  }
0x59: {  	_ =	shalt  }
0x5a: {  	_ =	shalt  }
0x5b: {  	_ =	shalt  }
0x5c: {  	_ =	shalt  }
0x5d: {  	_ =	shalt  }
0x5e: {  	_ =	shalt  }
0x5f: {  	_ =	shalt  }
0x60: {  	_ =	shalt  }
0x61: {  	_ =	shalt  }
0x62: {  	_ =	shalt  }
0x63: {  	_ =	shalt  }
0x64: {  	_ =	shalt  }
0x65: {  	_ =	shalt  }
0x66: {  	_ =	shalt  }
0x67: {  	_ =	shalt  }
0x68: {  	_ =	shalt  }
0x69: {  	_ =	shalt  }
0x6a: {  	_ =	shalt  }
0x6b: {  	_ =	shalt  }
0x6c: {  	_ =	shalt  }
0x6d: {  	_ =	shalt  }
0x6e: {  	_ =	shalt  }
0x6f: {  	_ =	shalt  }
0x70: {  	_ =	shalt  }
0x71: {  	_ =	shalt  }
0x72: {  	_ =	shalt  }
0x73: {  	_ =	shalt  }
0x74: {  	_ =	shalt  }
0x75: {  	_ =	shalt  }
0x76: {  	_ =	shalt  }
0x77: {  	_ =	shalt  }
0x78: {  	_ =	shalt  }
0x79: {  	_ =	shalt  }
0x7a: {  	_ =	shalt  }
0x7b: {  	_ =	shalt  }
0x7c: {  	_ =	shalt  }
0x7d: {  	_ =	shalt  }
0x7e: {  	_ =	shalt  }
0x7f: {  	_ =	shalt  }
0x80: {  	_ =	shalt  }
0x81: {  	_ =	shalt  }
0x82: {  	_ =	shalt  }
0x83: {  	_ =	shalt  }
0x84: {  	_ =	shalt  }
0x85: {  	_ =	shalt  }
0x86: {  	_ =	shalt  }
0x87: {  	_ =	shalt  }
.Lfunc_end0:
.L_simem_size_0:
called_computation_lowered:
.L_overlay_start_0:
0x88: {  	s2 =	sld [smem:$0x3FD9]  }
0x89: {  	s3 =	sld [smem:$0x3FFE];
	_ =	sdelay $0x1  }
0x8a: {  	s1 =	srdreg.scid  }
0x8b: {  	s0 =	sand.u32 $0x1, s1  }
0x8c: {  	s16 =	sshll.u32 s0, $0xA;
	s2 =	sadd.s32 s3, s2  }
0x8d: {  	s2 =	sadd.s32 s2, s16  }
0x8e: {  	[smem:$0x3FBF] =	sst s2  }
0x8f: {  	_ = 	snop  }
0x90: {  	(tm) =	ssettm $0x1  }
0x91: {  	s17 =	sld [smem:$0x3FFB];
	_ =	sdelay $0x3  }
0x92: {  	_ =	strace s17  }
0x93: {  	s2 =	sld [smem:$0x3FFC];
	_ =	sdelay $0x3  }
0x94: {  	_ =	strace s2  }
0x95: {  	s2 =	sld [smem:$0x3FFD];
	_ =	sdelay $0x3  }
0x96: {  	_ =	strace s2  }
0x97: {  	_ =	strace $0x8FFFFFFF  }
0x98: {  	s18 =	sld [smem:$0x3FDB];
	_ =	sdelay $0x1  }
0x99: {  	s19 =	simm.s32 $_scs_section_size  }
0x9a: {  	s4 =	simm.s32 $_size__tile_overlayer_lowered;
	s5 =	simm.s32 $_tile_overlayer_lowered  }
0x9b: {  	s22 =	simm.s32 $0x1BFF;
	s21 =	sshll.u32 s5, $0x1;
	s2 =	sadd.s32 s19, s18  }
0x9c: {  	s6 =	simm.s32 $0x0;
	s20 =	sshll.u32 s4, $0x1;
	s4 =	sadd.s32 s21, s2  }
0x9d: {  	[timem:s6], [sflag:s22] =	dma.local [hbm:s4], s20  }
0x9e: {  	_ =	swait.ge [sflag:s22], s20  }
0x9f: {  	s3 =	ssub.s32 $0x0, s20;
	[sflag:s22] =	ssyncset.done $0x0  }
0xa0: {  	[sflag:s22] =	ssyncadd.s32 s3;
	_ =	sdelay $0x1  }
0xa1: {  	s23 =	simm.s32 $0x1B8B  }
0xa2: {  	_ =	swait.ge [sflag:s23], $0x1  }
0xa3: {  	[sflag:s23] =	ssyncset.done $0x0  }
0xa4: {  	s25 =	simm.s32 $0x1B8E;
	s24 =	sld [smem:$0x3FFE];
	[sflag:s23] =	ssyncadd.s32 $0xFFFFFFFF  }
0xa5: {  	s26 =	simm.s32 $execute0_lowered;
	[smem:$0x3FD2] =	sst s25  }
0xa6: {  	s4 =	sshll.u32 s26, $0x1;
	_ =	strace $0x80000046;
	[dreg:$0x1] =	wrdreg $0xFFFFFFFF  }
0xa7: {  	s28 =	simm.s32 $_size_execute0_lowered;
	s2 =	sadd.s32 s2, s4;
	[dreg:$0x0] =	wrdreg $0x0  }
0xa8: {  	s4 =	sshll.u32 s28, $0x1;
	[dreg:$0x2] =	wrdreg s2  }
0xa9: {  	[dreg:$0x3] =	wrdreg s4  }
0xaa: {  	[dreg:$0x4] =	wrdreg $0xC0  }
0xab: {  	_ =	task [dreg:s6], $0x5FFFF  }
0xac: {  	[dreg:$0x1] =	wrdreg $0xFFFFFFFF  }
0xad: {  	[dreg:$0x0] =	wrdreg $0x60  }
0xae: {  	[dreg:$0x2] =	wrdreg s24  }
0xaf: {  	[dreg:$0x3] =	wrdreg $0x9  }
0xb0: {  	_ =	task.clear_ibuf [dreg:s6], $0x4FFFF;
	_ =	strace $0x90000046  }
0xb1: {  	s29 =	simm.s32 $0x9;
	_ =	strace $0x80000048  }
0xb2: {  	_ =	swait.ge [sflag:s29], $0x1  }
0xb3: {  	[sflag:s29] =	ssyncadd.s32 $0xFFFFFFFF  }
0xb4: {  	_ =	strace $0x90000048  }
0xb5: {  	_ =	sfence  }
0xb6: {  	s30 =	sld [smem:$0x0];
	_ =	sdelay $0x2  }
0xb7: {  	s31 =	sshll.u32 s1, $0xD;
	s1 =	sshrl.u32 s1, $0x2  }
0xb8: {  	s3 =	sand.u32 $0x4000, s31;
	s1 =	sadd.s32 s1, s30  }
0xb9: {  	s0 =	sor.u32 s3, s0;
	s1 =	sshll.u32 s1, $0x11  }
0xba: {  	s0 =	sor.u32 s1, s0  }
0xbb: {  	s0 =	sadd.s32 $0x8F2B, s0  }
0xbc: {  	[sflag:s0] =	ssyncadd.remote.s32 $0x1  }
0xbd: {  	_ =	sfence.sel $0xFFFF  }
0xbe: {  	[dreg:$0x0] =	wrdreg $0xFFFFFFFF;
	(pc) =	sbr.abs _section_cstart, $3  }
0xbf: {  	[dreg:$0x1] =	wrdreg $0xFFFFFFFF  }
0xc0: {  	_ =	task.clear_ibuf [dreg:s6], $0x2FFFF;
	_ =	strace $0x9FFFFFFF  }
0xc1: {  	(tm) =	ssettm $0x7FFFFFFF  }
tec
execute0_lowered:
.L_overlay_start_1:
0x0: {  	(tag) =	ssettag $0x1  }
0x1: {  	s6 =	rddreg [dreg:$0x0]  }
0x2: {  	s0 =	rddreg [dreg:$0x1];
	s2 =	simm.s32 $0x0;
	s3 =	srdreg.scid  }
0x3: {  	s1 =	stileid.u32;
	s11 =	simm.s32 $0x1;
	s12 =	simm.s32 $0x2A80  }
0x4: {  	s13 =	simm.s32 $0x2800;
	s14 =	simm.s32 $0x2D00;
	s15 =	simm.s32 $0x0  }
0x5: {  	[smem:$0x7FF] =	sst s2;
	s4 =	sand.u32 $0x1, s3;
	s31 =	sshll.u32 s1, $0x1  }
0x6: {  	s3 =	sadd.s32 $0x16600, s6;
	s7 =	sor.u32 s4, s31;
	s9 =	ssub.s32 $0x2, s4  }
0x7: {  	s5 =	sadd.s32 $0x656600, s6;
	s8 =	smul.u32 $0x140, s7;
	s10 =	sshrl.u32 s9, $0x1  }
0x8: {  	_ =	strace $0x80000047;
	s4 =	sadd.s32 $0x6A8E00, s6;
	s9 =	ssub.s32 s9, s10  }
0x9: {  	s10 =	simm.s32 $0x400;
	s8 =	sadd.s32 s8, s6;
	s6 =	smul.u32 $0xA0, s7  }
0xa: {  	v0 =	vimm.s32 $0x0;
	v1 =	vlaneseq.u32;
	s7 =	sadd.s32 $0x6A6600, s8;
	s8 =	smax.u32 s9, $0x1;
	s9 =	simm.s32 $0x80  }
.LBB2_1:
0xb: {  	s16 =	simm.s32 $0x0  }
.LBB2_2:
0xc: {  	s17 =	sadd.s32 s6, s16  }
0xd: {  	s17 =	sshrl.u32 s17, $0x3  }
0xe: {  	s18 =	sshll.u32 s16, $0x7;
	s19 =	smul.u32 $0x14000, s17  }
0xf: {  	s18 =	sand.u32 $0x380, s18  }
0x10: {  	s19 =	sor.u32 s18, s19  }
0x11: {  	s19 =	sshrl.u32 s19, $0x3  }
0x12: {  	s20 =	sadd.s32 s3, s19;
	s19 =	simm.s32 $0x0  }
0x13: {  	[tilespmem:s19], [sflag:$0x1] =	stream.strided.gather [hbm4b:s20+s9], $0x2800, s10, s9, $0x38;
	[tilespmem:$0x3700] =	vst v63  }
0x14: {  	_ =	swait.ge [sflag:s11], $0x2800  }
0x15: {  	[sflag:s11] =	ssyncset.done $0x0  }
0x16: {  	[sflag:s11] =	ssyncadd.s32 $0xFFFFD800  }
0x17: {  	v5 =	vld [tilespmem:s19+$0x0];
	_ =	sdelay $0x4  }
0x18: {  	vm0 =	vle.f32 v5, $3.999999910e-02  }
0x19: {  	v2 =	vsel vm0, $0x1, v0  }
0x1a: {  	(xrf0) =	vadd.scan.msk.s32 $0xffff, v2;
	_ =	sdelay $0x5  }
0x1b: {  	v2 =	vimm.s32 $0x0;
	v3, _, _ =	vpop (xrf0)  }
0x1c: {  	v3 =	vadd.s32 v3, v2  }
0x1d: {  	v3 =	vadd.s32 $0xFFFFFFFF, v3  }
0x1e: {  	v3 =	vnsel vm0, $0x200, v3  }
0x1f: {  	v4 =	vmpcnt.ones.xlane vm0;
	_ =	sdelay $0x1  }
0x20: {  	v2 =	vadd.s32 v2, v4  }
0x21: {  	vm15 =	vlt.s32 v2, $0x1F0  }
0x22: {  	s20 =	simm.s32 $0x10;
	v4 =	vor.u32 s19, v1;
	v2 =	vnsel vm15, $0x1F0, v2;
	[tilespmem:v3+s12+$0x0] =	vst.idx.msk $0xffff, v5  }
.LBB2_3:
0x23: {  	p0 =	sne.s32 s20, $0x27F0  }
0x24: {  	[tilespmem:v3+s13+$0x0] =	vst.idx.msk $0xffff, v4;
	s19 =	sadd.s32 $0x10, s19;
	v3 =	vmov v2;
	s21 =	smov.u32 s20;
	s20 =	sadd.s32 $0x10, s20  }
0x25: {  	v5 =	vld [tilespmem:s19+$0x0];
	_ =	sdelay $0x4  }
0x26: {  	vm0 =	vle.f32 v5, $3.999999910e-02  }
0x27: {  	v4 =	vsel vm0, $0x1, v0;
	v6 =	vmpcnt.ones.xlane vm0  }
0x28: {  	(xrf0) =	vadd.scan.msk.s32 $0xffff, v4  }
0x29: {  	v2 =	vadd.s32 v2, v6  }
0x2a: {  	vm1 =	vlt.s32 v2, $0x1F0  }
0x2b: {  	v2 =	vnsel vm1, $0x1F0, v2;
	_ =	sdelay $0x2  }
0x2c: {  	v4, _, _ =	vpop (xrf0)  }
0x2d: {  	v3 =	vadd.s32 v4, v3  }
0x2e: {  	v3 =	vadd.s32 $0xFFFFFFFF, v3  }
0x2f: {  	v3 =	vnsel vm0, $0x200, v3  }
.Ltmp0:
0x30: {  	(pc) =	sbr.rel @p0 .LBB2_3-.Ltmp0, $2  }
0x31: {  	_ =	sdelay $0x2  }
0x32: {  	v4 =	vor.u32 s21, v1;
	[tilespmem:v3+s12+$0x0] =	vst.idx.msk $0xffff, v5  }
0x33: {  	_ =	sdelay $0x1  }
0x34: {  	s17 =	sshll.u32 s17, $0xC  }
0x35: {  	s19 =	sshll.u32 s16, $0x4;
	s17 =	sor.u32 s18, s17  }
0x36: {  	[tilespmem:v3+s13+$0x0] =	vst.idx.msk $0xffff, v4;
	s30 =	sand.u32 $0x3FFFFFF0, s19;
	s17 =	sshrl.u32 s17, $0x3  }
0x37: {  	[tilespmem:s30+$0x2D00] =	vst v2;
	s31 =	sadd.s32 s4, s17  }
0x38: {  	[hbm4b:s31+s9] =	stream.strided.scatter [tilespmem:s13], [sflag:$0x1], $0x200, s10, s9, $0x38;
	[tilespmem:$0x3700] =	vst v63  }
0x39: {  	s16 =	sadd.s32 $0x1, s16;
	_ =	swait.ge [sflag:s11], $0x200  }
0x3a: {  	p0 =	sne.s32 s16, $0xA0;
	[sflag:s11] =	ssyncset.done $0x0  }
.Ltmp1:
0x3b: {  	s17 =	sadd.s32 s5, s17;
	[sflag:s11] =	ssyncadd.s32 $0xFFFFFE00;
	(pc) =	sbr.rel @p0 .LBB2_2-.Ltmp1, $4  }
0x3c: {  	[hbm4b:s17+s9] =	stream.strided.scatter [tilespmem:s12], [sflag:$0x1], $0x200, s10, s9, $0x38;
	[tilespmem:$0x3700] =	vst v63  }
0x3d: {  	_ =	swait.ge [sflag:s11], $0x200  }
0x3e: {  	[sflag:s11] =	ssyncset.done $0x0  }
0x3f: {  	[sflag:s11] =	ssyncadd.s32 $0xFFFFFE00  }
0x40: {  	s15 =	sadd.s32 $0x1, s15  }
0x41: {  	p0 =	sne.s32 s15, s8  }
.Ltmp2:
0x42: {  	_ = 	snop;
	(pc) =	sbr.rel @p0 .LBB2_1-.Ltmp2, $4  }
0x43: {  	[hbm4b:s7+s2] =	stream.linear.scatter [tilespmem:s14], [sflag:$0x1], $0xA00, $0x38;
	[tilespmem:$0x3700] =	vst v63  }
0x44: {  	_ =	swait.ge [sflag:s11], $0xA00  }
0x45: {  	[sflag:s11] =	ssyncset.done $0x0  }
0x46: {  	[sflag:s11] =	ssyncadd.s32 $0xFFFFF600  }
0x47: {  	_ =	sfence.sel $0x180000  }
0x48: {  	[bflag:$0x0] =	sbarrier.arrive $0xFFFF  }
0x49: {  	p0 =	sne.s32 s1, $0x0;
	_ =	strace $0x90000047  }
0x4a: {  	s0 =	sadd.s32 @!p0 $0x100000, s0;
	[bflag:$0x2] =	sbarrier.arrive $0xFFFF  }
0x4b: {  	[sflag:s0] =	ssyncadd.tile.s32 @!p0 $0x1;
	_ =	shalt  }
.Lfunc_end2:
_tile_overlayer_lowered:
.L_overlay_start_2:
0x4c: {  	(tag) =	ssettag $0x2  }
0x4d: {  	s0 =	rddreg [dreg:$0x0];
	s2 =	stileid.u32  }
0x4e: {  	s1 =	rddreg [dreg:$0x1];
	p0 =	sne.s32 s2, $0x0  }
0x4f: {  	s3 =	rddreg [dreg:$0x2];
	[bflag:$0x3] =	sbarrier.arrive $0xFFFF;
	s2 =	simm.s32 @!p0 $0x1C01  }
0x50: {  	[timem:s3], [sflag:s2] =	dma.local @!p0 [hbm:s0], s1  }
0x51: {  	s0 =	simm.s32 @!p0 $0x1  }
0x52: {  	_ =	swait.ge @!p0 [sflag:s0], s1  }
0x53: {  	s1 =	ssub.s32 @!p0 $0x0, s1;
	[sflag:s0] =	ssyncset.done @!p0 $0x0  }
0x54: {  	[sflag:s0] =	ssyncadd.s32 @!p0 s1  }
0x55: {  	[bflag:$0x3] =	sbarrier.arrive $0xFFFF  }
0x56: {  	_ =	shalt  }

</sc_bundles>
